<compile_context>
chip_gen: v7x
topology: tpu7x:2x2x1
jax: 0.10.2.dev20260603
libtpu: 0.0.44.dev20260713+nightly
codegen_flags: <defaults>
</compile_context>

<pallas_src>
import functools

import jax
import jax.numpy as jnp
from jax import lax
from jax.experimental import pallas as pl
from jax.experimental.pallas import tpu as pltpu
from jax.experimental.pallas import tpu_sc as plsc

N = 10000
NP = 10240
E = 320000
D = 128
NC = 2
NS = 16
CH = 128
NCHUNK = 2560
CPT_DEG = NCHUNK // (NC * NS)
CPT0 = 144
CPT1 = 16
EPAD = NCHUNK * CH
ROWS_PT = NP // NS

_mesh = plsc.VectorSubcoreMesh(core_axis_name="c", subcore_axis_name="s")


def _zero_f32(ref, n):
    z = jnp.zeros((16,), jnp.float32)

    def body(i, _):
        ref[pl.ds(i * 16, 16)] = z
        return 0

    lax.fori_loop(0, n // 16, body, 0)


@functools.partial(
    pl.kernel,
    mesh=_mesh,
    out_type=jax.ShapeDtypeStruct((NC, NS, ROWS_PT), jnp.float32),
    scratch_types=[
        pltpu.VMEM((CPT_DEG, 2, CH), jnp.int32),
        pltpu.VMEM((CH,), jnp.float32),
        pltpu.VMEM((ROWS_PT,), jnp.float32),
        pltpu.VMEM_SHARED((NP,), jnp.float32),
        pltpu.SemaphoreType.DMA,
    ],
)
def _deg_kernel(idx_hbm, out_hbm, idxv, ones_v, zbuf, deg_sh, sem):
    c = lax.axis_index("c")
    s = lax.axis_index("s")
    w = c * NS + s

    _zero_f32(zbuf, ROWS_PT)
    o = jnp.ones((16,), jnp.float32)
    for i in range(CH // 16):
        ones_v[pl.ds(i * 16, 16)] = o
    pltpu.sync_copy(idx_hbm.at[pl.ds(w * CPT_DEG, CPT_DEG)], idxv)
    pltpu.sync_copy(zbuf, deg_sh.at[pl.ds(s * ROWS_PT, ROWS_PT)])
    plsc.subcore_barrier()

    def grp(g, _):
        for k in range(8):
            pltpu.async_copy(ones_v, deg_sh.at[idxv.at[g * 8 + k, 1]], sem, add=True)
        for k in range(8):
            pltpu.make_async_copy(ones_v, deg_sh.at[idxv.at[g * 8 + k, 1]], sem).wait()
        return 0

    lax.fori_loop(0, CPT_DEG // 8, grp, 0)
    plsc.subcore_barrier()
    pltpu.sync_copy(deg_sh.at[pl.ds(s * ROWS_PT, ROWS_PT)], out_hbm.at[c, s])


@functools.partial(
    pl.kernel,
    mesh=_mesh,
    out_type=jax.ShapeDtypeStruct((NC, NS, ROWS_PT, D), jnp.float32),
    scratch_types=[
        pltpu.VMEM((2, CH), jnp.int32),
        pltpu.VMEM((2, CH), jnp.int32),
        pltpu.VMEM((2, CH), jnp.int32),
        pltpu.VMEM((2, CH), jnp.int32),
        pltpu.VMEM((CH, D), jnp.float32),
        pltpu.VMEM((CH, D), jnp.float32),
        pltpu.VMEM_SHARED((NP, D), jnp.float32),
        pltpu.SemaphoreType.DMA,
        pltpu.SemaphoreType.DMA,
        pltpu.SemaphoreType.DMA,
        pltpu.SemaphoreType.DMA,
        pltpu.SemaphoreType.DMA,
        pltpu.SemaphoreType.DMA,
    ],
)
def _agg_kernel(
    hp_hbm, idx_hbm, out_hbm, i0, i1, i2, i3, rows_a, rows_b, acc_sh,
    ga, gb, s0, s1, s2, s3,
):
    c = lax.axis_index("c")
    s = lax.axis_index("s")
    idx = (i0, i1, i2, i3)
    isem = (s0, s1, s2, s3)
    rows = (rows_a, rows_b)
    gsem = (ga, gb)
    start = jnp.where(c == 0, s * CPT0, NS * CPT0 + s * CPT1)
    nbody = jnp.where(c == 0, CPT0 // 4, CPT1 // 4)

    z = jnp.zeros((16,), jnp.float32)

    def zrow(r, _):
        for i in range(D // 16):
            rows_a[r, pl.ds(i * 16, 16)] = z
        return 0

    lax.fori_loop(0, CH, zrow, 0)
    for j in range(ROWS_PT // CH):
        pltpu.sync_copy(rows_a, acc_sh.at[pl.ds(s * ROWS_PT + j * CH, CH), :])
    plsc.subcore_barrier()

    def istart(j, q):
        pltpu.make_async_copy(idx_hbm.at[start + j], idx[q], isem[q]).start()

    def iwait(j, q):
        pltpu.make_async_copy(idx_hbm.at[start + j], idx[q], isem[q]).wait()

    def gather(q, b):
        pltpu.make_async_copy(hp_hbm.at[idx[q].at[0]], rows[b], gsem[b]).start()

    def gwait(q, b):
        pltpu.make_async_copy(hp_hbm.at[idx[q].at[0]], rows[b], gsem[b]).wait()

    def scat(q, b):
        pltpu.sync_copy(rows[b], acc_sh.at[idx[q].at[1]], add=True)

    for q in range(4):
        istart(q, q)
    iwait(0, 0)
    gather(0, 0)

    def body(t, _):
        j0 = 4 * t
        more = t + 1 < nbody

        iwait(j0 + 1, 1)
        gather(1, 1)
        gwait(0, 0)
        scat(0, 0)

        @pl.when(more)
        def _():
            istart(j0 + 4, 0)

        iwait(j0 + 2, 2)
        gather(2, 0)
        gwait(1, 1)
        scat(1, 1)

        @pl.when(more)
        def _():
            istart(j0 + 5, 1)

        iwait(j0 + 3, 3)
        gather(3, 1)
        gwait(2, 0)
        scat(2, 0)

        @pl.when(more)
        def _():
            istart(j0 + 6, 2)
            iwait(j0 + 4, 0)
            gather(0, 0)

        gwait(3, 1)
        scat(3, 1)

        @pl.when(more)
        def _():
            istart(j0 + 7, 3)

        return 0

    lax.fori_loop(0, nbody, body, 0)
    plsc.subcore_barrier()
    pltpu.sync_copy(acc_sh.at[pl.ds(s * ROWS_PT, ROWS_PT), :], out_hbm.at[c, s])


def _hprime_body(degp_ref, x_ref, wgt_ref, hp_ref, dis_ref):
    deg = degp_ref[0] + degp_ref[1] + 1.0
    dis = lax.rsqrt(deg)
    dis_ref[...] = dis[:, None]
    h = jnp.dot(x_ref[...], wgt_ref[...], preferred_element_type=jnp.float32)
    hp_ref[...] = h * dis[:, None]


def _final_body(accp_ref, hp_ref, dis_ref, bg_ref, wc_ref, bc_ref, out_ref):
    pre = (accp_ref[0] + accp_ref[1] + hp_ref[...]) * dis_ref[...] + bg_ref[...]
    act = jnp.maximum(pre, 0.0)
    out_ref[...] = (
        jnp.dot(act, wc_ref[...], preferred_element_type=jnp.float32) + bc_ref[...]
    )


def kernel(X, edge_index, W_gcn, b_gcn, W_cls, b_cls):
    src = edge_index[0].astype(jnp.int32)
    dst = edge_index[1].astype(jnp.int32)
    npad = EPAD - E
    srcp = jnp.concatenate([src, jnp.zeros((npad,), jnp.int32)])
    dstp = jnp.concatenate([dst, jnp.full((npad,), N, jnp.int32)])
    idxp = jnp.stack(
        [srcp.reshape(NCHUNK, CH), dstp.reshape(NCHUNK, CH)], axis=1
    )

    degp = _deg_kernel(idxp)
    degp = degp.reshape(NC, NP)

    Xp = jnp.zeros((NP, D), X.dtype).at[:N].set(X)
    RB = 1280
    hp, dis = pl.pallas_call(
        _hprime_body,
        grid=(NP // RB,),
        in_specs=[
            pl.BlockSpec((NC, RB), lambda i: (0, i)),
            pl.BlockSpec((RB, D), lambda i: (i, 0)),
            pl.BlockSpec((D, D), lambda i: (0, 0)),
        ],
        out_specs=[
            pl.BlockSpec((RB, D), lambda i: (i, 0)),
            pl.BlockSpec((RB, 1), lambda i: (i, 0)),
        ],
        out_shape=[
            jax.ShapeDtypeStruct((NP, D), jnp.float32),
            jax.ShapeDtypeStruct((NP, 1), jnp.float32),
        ],
    )(degp, Xp, W_gcn.T)

    accp = _agg_kernel(hp, idxp)
    accp = accp.reshape(NC, NP, D)

    wc_pad = jnp.zeros((D, D), jnp.float32).at[:, : W_cls.shape[0]].set(W_cls.T)
    bc_pad = jnp.zeros((1, D), jnp.float32).at[0, : W_cls.shape[0]].set(b_cls)

    logits = pl.pallas_call(
        _final_body,
        grid=(NP // RB,),
        in_specs=[
            pl.BlockSpec((NC, RB, D), lambda i: (0, i, 0)),
            pl.BlockSpec((RB, D), lambda i: (i, 0)),
            pl.BlockSpec((RB, 1), lambda i: (i, 0)),
            pl.BlockSpec((1, D), lambda i: (0, 0)),
            pl.BlockSpec((D, D), lambda i: (0, 0)),
            pl.BlockSpec((1, D), lambda i: (0, 0)),
        ],
        out_specs=pl.BlockSpec((RB, D), lambda i: (i, 0)),
        out_shape=jax.ShapeDtypeStruct((NP, D), jnp.float32),
    )(accp, hp, dis, b_gcn.reshape(1, D), wc_pad, bc_pad)

    return logits[:N, : W_cls.shape[0]]

# --- scband reference (transcript-rebuilt; emitter-appended) ---
"""Pipeline reference for scband-tiny-gcn-19327352832217 (READ-ONLY COPY).

The authoritative reference and input builder live on the scoring server;
editing this copy changes nothing except your own understanding.
"""

import jax, jax.numpy as jnp
import numpy as np

N_NODES = 10000
N_EDGES = 320000
IN_DIM = 128
HIDDEN_DIM = 128
N_CLASSES = 40


def setup_inputs(seed: int = 0) -> dict:
    key = jax.random.key(seed)
    k1, k2, k3, k4, k5, k6 = jax.random.split(key, 6)
    X = jax.random.normal(k1, (N_NODES, IN_DIM), dtype=jnp.float32)
    edge_index = jax.random.randint(k2, (2, N_EDGES), 0, N_NODES, dtype=jnp.int64)
    # GCNConv linear weight (glorot), shape (out, in) like PyG, applied as x @ W.T
    lim_g = np.sqrt(6.0 / (IN_DIM + HIDDEN_DIM))
    W_gcn = jax.random.uniform(k3, (HIDDEN_DIM, IN_DIM), minval=-lim_g, maxval=lim_g, dtype=jnp.float32)
    b_gcn = jnp.zeros((HIDDEN_DIM,), dtype=jnp.float32)
    lim_c = np.sqrt(6.0 / (HIDDEN_DIM + N_CLASSES))
    W_cls = jax.random.uniform(k4, (N_CLASSES, HIDDEN_DIM), minval=-lim_c, maxval=lim_c, dtype=jnp.float32)
    b_cls = jnp.zeros((N_CLASSES,), dtype=jnp.float32)
    return {"X": X, "edge_index": edge_index, "W_gcn": W_gcn, "b_gcn": b_gcn, "W_cls": W_cls, "b_cls": b_cls}


def reference(X, edge_index, W_gcn, b_gcn, W_cls, b_cls):
    N = X.shape[0]
    src = edge_index[0]
    dst = edge_index[1]
    # add self loops (GCNConv default add_self_loops=True)
    loop = jnp.arange(N, dtype=src.dtype)
    src = jnp.concatenate([src, loop])
    dst = jnp.concatenate([dst, loop])
    ew = jnp.ones(src.shape[0], dtype=X.dtype)
    # symmetric normalization: deg computed on destination (col)
    deg = jnp.zeros((N,), dtype=X.dtype).at[dst].add(ew)
    deg_inv_sqrt = jnp.where(deg > 0, jax.lax.rsqrt(deg), 0.0)
    norm = deg_inv_sqrt[src] * ew * deg_inv_sqrt[dst]
    # linear transform (PyG lin has no bias; bias added after aggregation)
    h = X @ W_gcn.T
    msg = norm[:, None] * jnp.take(h, src, axis=0)
    out = jnp.zeros((N, h.shape[1]), dtype=X.dtype).at[dst].add(msg)
    out = out + b_gcn
    out = jax.nn.relu(out)
    logits = out @ W_cls.T + b_cls
    return logits

if __name__ == "__main__":
    import jax
    _d = setup_inputs()
    print(jax.jit(kernel)(*tuple(_d.values())))

</pallas_src>

<mosaic_0001>
#map = affine_map<(d0, d1) -> (0, 0, 0)>
module attributes {stable_mosaic.version = 14 : i64} {
  func.func @_deg_kernel(%arg0: i32, %arg1: i32, %arg2: memref<2560x2x128xi32, #tpu.memory_space<hbm>>, %arg3: memref<2x16x640xf32, #tpu.memory_space<hbm>>, %arg4: memref<80x2x128xi32, #tpu.memory_space<vmem>>, %arg5: memref<128xf32, #tpu.memory_space<vmem>>, %arg6: memref<640xf32, #tpu.memory_space<vmem>>, %arg7: memref<10240xf32, #tpu.memory_space<vmem_shared>>, %arg8: memref<!tpu.dma_semaphore, #tpu.memory_space<semaphore_mem>>) attributes {dimension_semantics = [#tpu.dimension_semantics<core_parallel>, #tpu.dimension_semantics<subcore_parallel>], iteration_bounds = array<i64: 2, 16>, scalar_prefetch = 0 : i64, scratch_operands = 5 : i64, tpu.core_type = #tpu.core_type<sc_vector_subcore>, window_params = [{transform_indices = #map}, {transform_indices = #map}]} {
    %mul3A = arith.constant 16 : i32
    %mul3A_0 = arith.muli %arg0, %mul3A : i32
    %add3A = arith.addi %mul3A_0, %arg1 : i32
    %broadcast_in_dim3A = arith.constant 0.000000e+00 : f32
    %broadcast_in_dim3A_1 = vector.broadcast %broadcast_in_dim3A : f32 to vector<16xf32>
    %scan3A = arith.constant 0 : i32
    %scan3A_2 = arith.constant 0 : i32
    %scan3A_3 = arith.constant 40 : i32
    %scan3A_4 = arith.addi %scan3A_2, %scan3A_3 : i32
    %scan3A_5 = arith.constant 1 : i32
    %scan3A_6 = scf.for %scan3A_55 = %scan3A_2 to %scan3A_4 step %scan3A_5 iter_args(%scan3A_56 = %scan3A) -> (i32)  : i32 {
      %mul3A_57 = arith.constant 16 : i32
      %mul3A_58 = arith.muli %scan3A_55, %mul3A_57 : i32
      %swap3A_59 = arith.index_cast %mul3A_58 : i32 to index
      %swap3A_60 = tpu.vector_load %arg6[%swap3A_59] {strides = array<i32>} : memref<640xf32, #tpu.memory_space<vmem>>, vector<16xf32>,
      %swap3A_61 = vector.shape_cast %swap3A_60 : vector<16xf32> to vector<16xf32>
      %swap3A_62 = vector.shape_cast %broadcast_in_dim3A_1 : vector<16xf32> to vector<16xf32>
      tpu.vector_store %arg6[%swap3A_59], %swap3A_62 {strides = array<i32>} : memref<640xf32, #tpu.memory_space<vmem>>, vector<16xf32>,
      %scan3A_63 = arith.constant 0 : i32
      scf.yield %scan3A_63 : i32
    }
    %scan3A_7 = arith.constant 40 : i32
    %broadcast_in_dim3A_8 = arith.constant 1.000000e+00 : f32
    %broadcast_in_dim3A_9 = vector.broadcast %broadcast_in_dim3A_8 : f32 to vector<16xf32>
    %swap3A = arith.constant 0 : index
    %swap3A_10 = tpu.vector_load %arg5[%swap3A] {strides = array<i32>} : memref<128xf32, #tpu.memory_space<vmem>>, vector<16xf32>,
    %swap3A_11 = vector.shape_cast %swap3A_10 : vector<16xf32> to vector<16xf32>
    %swap3A_12 = vector.shape_cast %broadcast_in_dim3A_9 : vector<16xf32> to vector<16xf32>
    tpu.vector_store %arg5[%swap3A], %swap3A_12 {strides = array<i32>} : memref<128xf32, #tpu.memory_space<vmem>>, vector<16xf32>,
    %swap3A_13 = arith.constant 16 : index
    %swap3A_14 = tpu.vector_load %arg5[%swap3A_13] {strides = array<i32>} : memref<128xf32, #tpu.memory_space<vmem>>, vector<16xf32>,
    %swap3A_15 = vector.shape_cast %swap3A_14 : vector<16xf32> to vector<16xf32>
    %swap3A_16 = vector.shape_cast %broadcast_in_dim3A_9 : vector<16xf32> to vector<16xf32>
    tpu.vector_store %arg5[%swap3A_13], %swap3A_16 {strides = array<i32>} : memref<128xf32, #tpu.memory_space<vmem>>, vector<16xf32>,
    %swap3A_17 = arith.constant 32 : index
    %swap3A_18 = tpu.vector_load %arg5[%swap3A_17] {strides = array<i32>} : memref<128xf32, #tpu.memory_space<vmem>>, vector<16xf32>,
    %swap3A_19 = vector.shape_cast %swap3A_18 : vector<16xf32> to vector<16xf32>
    %swap3A_20 = vector.shape_cast %broadcast_in_dim3A_9 : vector<16xf32> to vector<16xf32>
    tpu.vector_store %arg5[%swap3A_17], %swap3A_20 {strides = array<i32>} : memref<128xf32, #tpu.memory_space<vmem>>, vector<16xf32>,
    %swap3A_21 = arith.constant 48 : index
    %swap3A_22 = tpu.vector_load %arg5[%swap3A_21] {strides = array<i32>} : memref<128xf32, #tpu.memory_space<vmem>>, vector<16xf32>,
    %swap3A_23 = vector.shape_cast %swap3A_22 : vector<16xf32> to vector<16xf32>
    %swap3A_24 = vector.shape_cast %broadcast_in_dim3A_9 : vector<16xf32> to vector<16xf32>
    tpu.vector_store %arg5[%swap3A_21], %swap3A_24 {strides = array<i32>} : memref<128xf32, #tpu.memory_space<vmem>>, vector<16xf32>,
    %swap3A_25 = arith.constant 64 : index
    %swap3A_26 = tpu.vector_load %arg5[%swap3A_25] {strides = array<i32>} : memref<128xf32, #tpu.memory_space<vmem>>, vector<16xf32>,
    %swap3A_27 = vector.shape_cast %swap3A_26 : vector<16xf32> to vector<16xf32>
    %swap3A_28 = vector.shape_cast %broadcast_in_dim3A_9 : vector<16xf32> to vector<16xf32>
    tpu.vector_store %arg5[%swap3A_25], %swap3A_28 {strides = array<i32>} : memref<128xf32, #tpu.memory_space<vmem>>, vector<16xf32>,
    %swap3A_29 = arith.constant 80 : index
    %swap3A_30 = tpu.vector_load %arg5[%swap3A_29] {strides = array<i32>} : memref<128xf32, #tpu.memory_space<vmem>>, vector<16xf32>,
    %swap3A_31 = vector.shape_cast %swap3A_30 : vector<16xf32> to vector<16xf32>
    %swap3A_32 = vector.shape_cast %broadcast_in_dim3A_9 : vector<16xf32> to vector<16xf32>
    tpu.vector_store %arg5[%swap3A_29], %swap3A_32 {strides = array<i32>} : memref<128xf32, #tpu.memory_space<vmem>>, vector<16xf32>,
    %swap3A_33 = arith.constant 96 : index
    %swap3A_34 = tpu.vector_load %arg5[%swap3A_33] {strides = array<i32>} : memref<128xf32, #tpu.memory_space<vmem>>, vector<16xf32>,
    %swap3A_35 = vector.shape_cast %swap3A_34 : vector<16xf32> to vector<16xf32>
    %swap3A_36 = vector.shape_cast %broadcast_in_dim3A_9 : vector<16xf32> to vector<16xf32>
    tpu.vector_store %arg5[%swap3A_33], %swap3A_36 {strides = array<i32>} : memref<128xf32, #tpu.memory_space<vmem>>, vector<16xf32>,
    %swap3A_37 = arith.constant 112 : index
    %swap3A_38 = tpu.vector_load %arg5[%swap3A_37] {strides = array<i32>} : memref<128xf32, #tpu.memory_space<vmem>>, vector<16xf32>,
    %swap3A_39 = vector.shape_cast %swap3A_38 : vector<16xf32> to vector<16xf32>
    %swap3A_40 = vector.shape_cast %broadcast_in_dim3A_9 : vector<16xf32> to vector<16xf32>
    tpu.vector_store %arg5[%swap3A_37], %swap3A_40 {strides = array<i32>} : memref<128xf32, #tpu.memory_space<vmem>>, vector<16xf32>,
    %mul3A_41 = arith.constant 80 : i32
    %mul3A_42 = arith.muli %add3A, %mul3A_41 : i32
    "tpu.region"() ({
      %run_scoped3A = tpu.sem_alloc : memref<!tpu.dma_semaphore, #tpu.memory_space<semaphore_mem>>
      %dma_start3A = arith.constant 0 : i32
      %dma_start3A_55 = arith.constant 0 : i32
      %dma_start3A_56 = tpu.memref_slice %arg2[%mul3A_42, %dma_start3A, %dma_start3A_55] : memref<2560x2x128xi32, #tpu.memory_space<hbm>> -> memref<80x2x128xi32, #tpu.memory_space<hbm>>
      %dma_start3A_57 = arith.constant 0 : i32
      %dma_start3A_58 = arith.constant 0 : i32
      %dma_start3A_59 = tpu.memref_slice %arg2[%mul3A_42, %dma_start3A_57, %dma_start3A_58] : memref<2560x2x128xi32, #tpu.memory_space<hbm>> -> memref<80x2x128xi32, #tpu.memory_space<hbm>>
      tpu.enqueue_dma source(%dma_start3A_59 : memref<80x2x128xi32, #tpu.memory_space<hbm>>) target(%arg4 : memref<80x2x128xi32, #tpu.memory_space<vmem>>) target_semaphore(%run_scoped3A : memref<!tpu.dma_semaphore, #tpu.memory_space<semaphore_mem>>)
      %dma_wait3A = arith.constant 0 : i32
      %dma_wait3A_60 = arith.constant 0 : i32
      %dma_wait3A_61 = tpu.memref_slice %arg2[%mul3A_42, %dma_wait3A, %dma_wait3A_60] : memref<2560x2x128xi32, #tpu.memory_space<hbm>> -> memref<80x2x128xi32, #tpu.memory_space<hbm>>
      %dma_wait3A_62 = arith.constant 0 : i32
      %dma_wait3A_63 = arith.constant 0 : i32
      %dma_wait3A_64 = tpu.memref_slice %arg2[%mul3A_42, %dma_wait3A_62, %dma_wait3A_63] : memref<2560x2x128xi32, #tpu.memory_space<hbm>> -> memref<80x2x128xi32, #tpu.memory_space<hbm>>
      tpu.wait_dma2 semaphore(%run_scoped3A : memref<!tpu.dma_semaphore, #tpu.memory_space<semaphore_mem>>) src(%dma_wait3A_64 : memref<80x2x128xi32, #tpu.memory_space<hbm>>) dst(%arg4 : memref<80x2x128xi32, #tpu.memory_space<vmem>>)
      tpu.yield
    }) : () -> ()
    %mul3A_43 = arith.constant 640 : i32
    %mul3A_44 = arith.muli %arg1, %mul3A_43 : i32
    "tpu.region"() ({
      %run_scoped3A = tpu.sem_alloc : memref<!tpu.dma_semaphore, #tpu.memory_space<semaphore_mem>>
      %dma_start3A = tpu.memref_slice %arg7[%mul3A_44] : memref<10240xf32, #tpu.memory_space<vmem_shared>> -> memref<640xf32, #tpu.memory_space<vmem_shared>>
      %dma_start3A_55 = tpu.memref_slice %arg7[%mul3A_44] : memref<10240xf32, #tpu.memory_space<vmem_shared>> -> memref<640xf32, #tpu.memory_space<vmem_shared>>
      tpu.enqueue_dma source(%arg6 : memref<640xf32, #tpu.memory_space<vmem>>) target(%dma_start3A_55 : memref<640xf32, #tpu.memory_space<vmem_shared>>) target_semaphore(%run_scoped3A : memref<!tpu.dma_semaphore, #tpu.memory_space<semaphore_mem>>)
      %dma_wait3A = tpu.memref_slice %arg7[%mul3A_44] : memref<10240xf32, #tpu.memory_space<vmem_shared>> -> memref<640xf32, #tpu.memory_space<vmem_shared>>
      %dma_wait3A_56 = tpu.memref_slice %arg7[%mul3A_44] : memref<10240xf32, #tpu.memory_space<vmem_shared>> -> memref<640xf32, #tpu.memory_space<vmem_shared>>
      tpu.wait_dma2 semaphore(%run_scoped3A : memref<!tpu.dma_semaphore, #tpu.memory_space<semaphore_mem>>) src(%arg6 : memref<640xf32, #tpu.memory_space<vmem>>) dst(%dma_wait3A_56 : memref<640xf32, #tpu.memory_space<vmem_shared>>)
      tpu.yield
    }) : () -> ()
    %barrier3A = arith.constant 0 : index
    tpu.barrier barrier_id(%barrier3A)
    %scan3A_45 = arith.constant 0 : i32
    %scan3A_46 = arith.constant 0 : i32
    %scan3A_47 = arith.constant 10 : i32
    %scan3A_48 = arith.addi %scan3A_46, %scan3A_47 : i32
    %scan3A_49 = arith.constant 1 : i32
    %scan3A_50 = scf.for %scan3A_55 = %scan3A_46 to %scan3A_48 step %scan3A_49 iter_args(%scan3A_56 = %scan3A_45) -> (i32)  : i32 {
      %mul3A_57 = arith.constant 8 : i32
      %mul3A_58 = arith.muli %scan3A_55, %mul3A_57 : i32
      %add3A_59 = arith.constant 0 : i32
      %add3A_60 = arith.addi %mul3A_58, %add3A_59 : i32
      %dma_start3A = arith.constant 1 : i32
      %dma_start3A_61 = arith.constant 0 : i32
      %dma_start3A_62 = tpu.memref_slice %arg4[%add3A_60, %dma_start3A, %dma_start3A_61] : memref<80x2x128xi32, #tpu.memory_space<vmem>> -> memref<1x1x128xi32, #tpu.memory_space<vmem>>
      %dma_start3A_63 = tpu.memref_squeeze %dma_start3A_62 : memref<1x1x128xi32, #tpu.memory_space<vmem>> -> memref<128xi32, #tpu.memory_space<vmem>>
      %dma_start3A_64 = arith.constant 0 : i32
      %dma_start3A_65 = tpu.memref_slice %arg7[%dma_start3A_64] : memref<10240xf32, #tpu.memory_space<vmem_shared>> -> memref<10240xf32, #tpu.memory_space<vmem_shared>>
      tpu.enqueue_indirect_dma source(%arg5 : memref<128xf32, #tpu.memory_space<vmem>>) target(%dma_start3A_65 : memref<10240xf32, #tpu.memory_space<vmem_shared>>) offsets(%dma_start3A_63 : memref<128xi32, #tpu.memory_space<vmem>>) semaphore(%arg8 : memref<!tpu.dma_semaphore, #tpu.memory_space<semaphore_mem>>) {add = true}
      %mul3A_66 = arith.constant 8 : i32
      %mul3A_67 = arith.muli %scan3A_55, %mul3A_66 : i32
      %add3A_68 = arith.constant 1 : i32
      %add3A_69 = arith.addi %mul3A_67, %add3A_68 : i32
      %dma_start3A_70 = arith.constant 1 : i32
      %dma_start3A_71 = arith.constant 0 : i32
      %dma_start3A_72 = tpu.memref_slice %arg4[%add3A_69, %dma_start3A_70, %dma_start3A_71] : memref<80x2x128xi32, #tpu.memory_space<vmem>> -> memref<1x1x128xi32, #tpu.memory_space<vmem>>
      %dma_start3A_73 = tpu.memref_squeeze %dma_start3A_72 : memref<1x1x128xi32, #tpu.memory_space<vmem>> -> memref<128xi32, #tpu.memory_space<vmem>>
      %dma_start3A_74 = arith.constant 0 : i32
      %dma_start3A_75 = tpu.memref_slice %arg7[%dma_start3A_74] : memref<10240xf32, #tpu.memory_space<vmem_shared>> -> memref<10240xf32, #tpu.memory_space<vmem_shared>>
      tpu.enqueue_indirect_dma source(%arg5 : memref<128xf32, #tpu.memory_space<vmem>>) target(%dma_start3A_75 : memref<10240xf32, #tpu.memory_space<vmem_shared>>) offsets(%dma_start3A_73 : memref<128xi32, #tpu.memory_space<vmem>>) semaphore(%arg8 : memref<!tpu.dma_semaphore, #tpu.memory_space<semaphore_mem>>) {add = true}
      %mul3A_76 = arith.constant 8 : i32
      %mul3A_77 = arith.muli %scan3A_55, %mul3A_76 : i32
      %add3A_78 = arith.constant 2 : i32
      %add3A_79 = arith.addi %mul3A_77, %add3A_78 : i32
      %dma_start3A_80 = arith.constant 1 : i32
      %dma_start3A_81 = arith.constant 0 : i32
      %dma_start3A_82 = tpu.memref_slice %arg4[%add3A_79, %dma_start3A_80, %dma_start3A_81] : memref<80x2x128xi32, #tpu.memory_space<vmem>> -> memref<1x1x128xi32, #tpu.memory_space<vmem>>
      %dma_start3A_83 = tpu.memref_squeeze %dma_start3A_82 : memref<1x1x128xi32, #tpu.memory_space<vmem>> -> memref<128xi32, #tpu.memory_space<vmem>>
      %dma_start3A_84 = arith.constant 0 : i32
      %dma_start3A_85 = tpu.memref_slice %arg7[%dma_start3A_84] : memref<10240xf32, #tpu.memory_space<vmem_shared>> -> memref<10240xf32, #tpu.memory_space<vmem_shared>>
      tpu.enqueue_indirect_dma source(%arg5 : memref<128xf32, #tpu.memory_space<vmem>>) target(%dma_start3A_85 : memref<10240xf32, #tpu.memory_space<vmem_shared>>) offsets(%dma_start3A_83 : memref<128xi32, #tpu.memory_space<vmem>>) semaphore(%arg8 : memref<!tpu.dma_semaphore, #tpu.memory_space<semaphore_mem>>) {add = true}
      %mul3A_86 = arith.constant 8 : i32
      %mul3A_87 = arith.muli %scan3A_55, %mul3A_86 : i32
      %add3A_88 = arith.constant 3 : i32
      %add3A_89 = arith.addi %mul3A_87, %add3A_88 : i32
      %dma_start3A_90 = arith.constant 1 : i32
      %dma_start3A_91 = arith.constant 0 : i32
      %dma_start3A_92 = tpu.memref_slice %arg4[%add3A_89, %dma_start3A_90, %dma_start3A_91] : memref<80x2x128xi32, #tpu.memory_space<vmem>> -> memref<1x1x128xi32, #tpu.memory_space<vmem>>
      %dma_start3A_93 = tpu.memref_squeeze %dma_start3A_92 : memref<1x1x128xi32, #tpu.memory_space<vmem>> -> memref<128xi32, #tpu.memory_space<vmem>>
      %dma_start3A_94 = arith.constant 0 : i32
      %dma_start3A_95 = tpu.memref_slice %arg7[%dma_start3A_94] : memref<10240xf32, #tpu.memory_space<vmem_shared>> -> memref<10240xf32, #tpu.memory_space<vmem_shared>>
      tpu.enqueue_indirect_dma source(%arg5 : memref<128xf32, #tpu.memory_space<vmem>>) target(%dma_start3A_95 : memref<10240xf32, #tpu.memory_space<vmem_shared>>) offsets(%dma_start3A_93 : memref<128xi32, #tpu.memory_space<vmem>>) semaphore(%arg8 : memref<!tpu.dma_semaphore, #tpu.memory_space<semaphore_mem>>) {add = true}
      %mul3A_96 = arith.constant 8 : i32
      %mul3A_97 = arith.muli %scan3A_55, %mul3A_96 : i32
      %add3A_98 = arith.constant 4 : i32
      %add3A_99 = arith.addi %mul3A_97, %add3A_98 : i32
      %dma_start3A_100 = arith.constant 1 : i32
      %dma_start3A_101 = arith.constant 0 : i32
      %dma_start3A_102 = tpu.memref_slice %arg4[%add3A_99, %dma_start3A_100, %dma_start3A_101] : memref<80x2x128xi32, #tpu.memory_space<vmem>> -> memref<1x1x128xi32, #tpu.memory_space<vmem>>
      %dma_start3A_103 = tpu.memref_squeeze %dma_start3A_102 : memref<1x1x128xi32, #tpu.memory_space<vmem>> -> memref<128xi32, #tpu.memory_space<vmem>>
      %dma_start3A_104 = arith.constant 0 : i32
      %dma_start3A_105 = tpu.memref_slice %arg7[%dma_start3A_104] : memref<10240xf32, #tpu.memory_space<vmem_shared>> -> memref<10240xf32, #tpu.memory_space<vmem_shared>>
      tpu.enqueue_indirect_dma source(%arg5 : memref<128xf32, #tpu.memory_space<vmem>>) target(%dma_start3A_105 : memref<10240xf32, #tpu.memory_space<vmem_shared>>) offsets(%dma_start3A_103 : memref<128xi32, #tpu.memory_space<vmem>>) semaphore(%arg8 : memref<!tpu.dma_semaphore, #tpu.memory_space<semaphore_mem>>) {add = true}
      %mul3A_106 = arith.constant 8 : i32
      %mul3A_107 = arith.muli %scan3A_55, %mul3A_106 : i32
      %add3A_108 = arith.constant 5 : i32
      %add3A_109 = arith.addi %mul3A_107, %add3A_108 : i32
      %dma_start3A_110 = arith.constant 1 : i32
      %dma_start3A_111 = arith.constant 0 : i32
      %dma_start3A_112 = tpu.memref_slice %arg4[%add3A_109, %dma_start3A_110, %dma_start3A_111] : memref<80x2x128xi32, #tpu.memory_space<vmem>> -> memref<1x1x128xi32, #tpu.memory_space<vmem>>
      %dma_start3A_113 = tpu.memref_squeeze %dma_start3A_112 : memref<1x1x128xi32, #tpu.memory_space<vmem>> -> memref<128xi32, #tpu.memory_space<vmem>>
      %dma_start3A_114 = arith.constant 0 : i32
      %dma_start3A_115 = tpu.memref_slice %arg7[%dma_start3A_114] : memref<10240xf32, #tpu.memory_space<vmem_shared>> -> memref<10240xf32, #tpu.memory_space<vmem_shared>>
      tpu.enqueue_indirect_dma source(%arg5 : memref<128xf32, #tpu.memory_space<vmem>>) target(%dma_start3A_115 : memref<10240xf32, #tpu.memory_space<vmem_shared>>) offsets(%dma_start3A_113 : memref<128xi32, #tpu.memory_space<vmem>>) semaphore(%arg8 : memref<!tpu.dma_semaphore, #tpu.memory_space<semaphore_mem>>) {add = true}
      %mul3A_116 = arith.constant 8 : i32
      %mul3A_117 = arith.muli %scan3A_55, %mul3A_116 : i32
      %add3A_118 = arith.constant 6 : i32
      %add3A_119 = arith.addi %mul3A_117, %add3A_118 : i32
      %dma_start3A_120 = arith.constant 1 : i32
      %dma_start3A_121 = arith.constant 0 : i32
      %dma_start3A_122 = tpu.memref_slice %arg4[%add3A_119, %dma_start3A_120, %dma_start3A_121] : memref<80x2x128xi32, #tpu.memory_space<vmem>> -> memref<1x1x128xi32, #tpu.memory_space<vmem>>
      %dma_start3A_123 = tpu.memref_squeeze %dma_start3A_122 : memref<1x1x128xi32, #tpu.memory_space<vmem>> -> memref<128xi32, #tpu.memory_space<vmem>>
      %dma_start3A_124 = arith.constant 0 : i32
      %dma_start3A_125 = tpu.memref_slice %arg7[%dma_start3A_124] : memref<10240xf32, #tpu.memory_space<vmem_shared>> -> memref<10240xf32, #tpu.memory_space<vmem_shared>>
      tpu.enqueue_indirect_dma source(%arg5 : memref<128xf32, #tpu.memory_space<vmem>>) target(%dma_start3A_125 : memref<10240xf32, #tpu.memory_space<vmem_shared>>) offsets(%dma_start3A_123 : memref<128xi32, #tpu.memory_space<vmem>>) semaphore(%arg8 : memref<!tpu.dma_semaphore, #tpu.memory_space<semaphore_mem>>) {add = true}
      %mul3A_126 = arith.constant 8 : i32
      %mul3A_127 = arith.muli %scan3A_55, %mul3A_126 : i32
      %add3A_128 = arith.constant 7 : i32
      %add3A_129 = arith.addi %mul3A_127, %add3A_128 : i32
      %dma_start3A_130 = arith.constant 1 : i32
      %dma_start3A_131 = arith.constant 0 : i32
      %dma_start3A_132 = tpu.memref_slice %arg4[%add3A_129, %dma_start3A_130, %dma_start3A_131] : memref<80x2x128xi32, #tpu.memory_space<vmem>> -> memref<1x1x128xi32, #tpu.memory_space<vmem>>
      %dma_start3A_133 = tpu.memref_squeeze %dma_start3A_132 : memref<1x1x128xi32, #tpu.memory_space<vmem>> -> memref<128xi32, #tpu.memory_space<vmem>>
      %dma_start3A_134 = arith.constant 0 : i32
      %dma_start3A_135 = tpu.memref_slice %arg7[%dma_start3A_134] : memref<10240xf32, #tpu.memory_space<vmem_shared>> -> memref<10240xf32, #tpu.memory_space<vmem_shared>>
      tpu.enqueue_indirect_dma source(%arg5 : memref<128xf32, #tpu.memory_space<vmem>>) target(%dma_start3A_135 : memref<10240xf32, #tpu.memory_space<vmem_shared>>) offsets(%dma_start3A_133 : memref<128xi32, #tpu.memory_space<vmem>>) semaphore(%arg8 : memref<!tpu.dma_semaphore, #tpu.memory_space<semaphore_mem>>) {add = true}
      %mul3A_136 = arith.constant 8 : i32
      %mul3A_137 = arith.muli %scan3A_55, %mul3A_136 : i32
      %add3A_138 = arith.constant 0 : i32
      %add3A_139 = arith.addi %mul3A_137, %add3A_138 : i32
      %dma_wait3A = arith.constant 1 : i32
      %dma_wait3A_140 = arith.constant 0 : i32
      %dma_wait3A_141 = tpu.memref_slice %arg4[%add3A_139, %dma_wait3A, %dma_wait3A_140] : memref<80x2x128xi32, #tpu.memory_space<vmem>> -> memref<1x1x128xi32, #tpu.memory_space<vmem>>
      %dma_wait3A_142 = tpu.memref_squeeze %dma_wait3A_141 : memref<1x1x128xi32, #tpu.memory_space<vmem>> -> memref<128xi32, #tpu.memory_space<vmem>>
      %dma_wait3A_143 = arith.constant 0 : i32
      %dma_wait3A_144 = tpu.memref_slice %arg7[%dma_wait3A_143] : memref<10240xf32, #tpu.memory_space<vmem_shared>> -> memref<10240xf32, #tpu.memory_space<vmem_shared>>
      tpu.wait_indirect_dma semaphore(%arg8 : memref<!tpu.dma_semaphore, #tpu.memory_space<semaphore_mem>>) src(%arg5 : memref<128xf32, #tpu.memory_space<vmem>>) dst(%dma_wait3A_144 : memref<10240xf32, #tpu.memory_space<vmem_shared>>)
      %mul3A_145 = arith.constant 8 : i32
      %mul3A_146 = arith.muli %scan3A_55, %mul3A_145 : i32
      %add3A_147 = arith.constant 1 : i32
      %add3A_148 = arith.addi %mul3A_146, %add3A_147 : i32
      %dma_wait3A_149 = arith.constant 1 : i32
      %dma_wait3A_150 = arith.constant 0 : i32
      %dma_wait3A_151 = tpu.memref_slice %arg4[%add3A_148, %dma_wait3A_149, %dma_wait3A_150] : memref<80x2x128xi32, #tpu.memory_space<vmem>> -> memref<1x1x128xi32, #tpu.memory_space<vmem>>
      %dma_wait3A_152 = tpu.memref_squeeze %dma_wait3A_151 : memref<1x1x128xi32, #tpu.memory_space<vmem>> -> memref<128xi32, #tpu.memory_space<vmem>>
      %dma_wait3A_153 = arith.constant 0 : i32
      %dma_wait3A_154 = tpu.memref_slice %arg7[%dma_wait3A_153] : memref<10240xf32, #tpu.memory_space<vmem_shared>> -> memref<10240xf32, #tpu.memory_space<vmem_shared>>
      tpu.wait_indirect_dma semaphore(%arg8 : memref<!tpu.dma_semaphore, #tpu.memory_space<semaphore_mem>>) src(%arg5 : memref<128xf32, #tpu.memory_space<vmem>>) dst(%dma_wait3A_154 : memref<10240xf32, #tpu.memory_space<vmem_shared>>)
      %mul3A_155 = arith.constant 8 : i32
      %mul3A_156 = arith.muli %scan3A_55, %mul3A_155 : i32
      %add3A_157 = arith.constant 2 : i32
      %add3A_158 = arith.addi %mul3A_156, %add3A_157 : i32
      %dma_wait3A_159 = arith.constant 1 : i32
      %dma_wait3A_160 = arith.constant 0 : i32
      %dma_wait3A_161 = tpu.memref_slice %arg4[%add3A_158, %dma_wait3A_159, %dma_wait3A_160] : memref<80x2x128xi32, #tpu.memory_space<vmem>> -> memref<1x1x128xi32, #tpu.memory_space<vmem>>
      %dma_wait3A_162 = tpu.memref_squeeze %dma_wait3A_161 : memref<1x1x128xi32, #tpu.memory_space<vmem>> -> memref<128xi32, #tpu.memory_space<vmem>>
      %dma_wait3A_163 = arith.constant 0 : i32
      %dma_wait3A_164 = tpu.memref_slice %arg7[%dma_wait3A_163] : memref<10240xf32, #tpu.memory_space<vmem_shared>> -> memref<10240xf32, #tpu.memory_space<vmem_shared>>
      tpu.wait_indirect_dma semaphore(%arg8 : memref<!tpu.dma_semaphore, #tpu.memory_space<semaphore_mem>>) src(%arg5 : memref<128xf32, #tpu.memory_space<vmem>>) dst(%dma_wait3A_164 : memref<10240xf32, #tpu.memory_space<vmem_shared>>)
      %mul3A_165 = arith.constant 8 : i32
      %mul3A_166 = arith.muli %scan3A_55, %mul3A_165 : i32
      %add3A_167 = arith.constant 3 : i32
      %add3A_168 = arith.addi %mul3A_166, %add3A_167 : i32
      %dma_wait3A_169 = arith.constant 1 : i32
      %dma_wait3A_170 = arith.constant 0 : i32
      %dma_wait3A_171 = tpu.memref_slice %arg4[%add3A_168, %dma_wait3A_169, %dma_wait3A_170] : memref<80x2x128xi32, #tpu.memory_space<vmem>> -> memref<1x1x128xi32, #tpu.memory_space<vmem>>
      %dma_wait3A_172 = tpu.memref_squeeze %dma_wait3A_171 : memref<1x1x128xi32, #tpu.memory_space<vmem>> -> memref<128xi32, #tpu.memory_space<vmem>>
      %dma_wait3A_173 = arith.constant 0 : i32
      %dma_wait3A_174 = tpu.memref_slice %arg7[%dma_wait3A_173] : memref<10240xf32, #tpu.memory_space<vmem_shared>> -> memref<10240xf32, #tpu.memory_space<vmem_shared>>
      tpu.wait_indirect_dma semaphore(%arg8 : memref<!tpu.dma_semaphore, #tpu.memory_space<semaphore_mem>>) src(%arg5 : memref<128xf32, #tpu.memory_space<vmem>>) dst(%dma_wait3A_174 : memref<10240xf32, #tpu.memory_space<vmem_shared>>)
      %mul3A_175 = arith.constant 8 : i32
      %mul3A_176 = arith.muli %scan3A_55, %mul3A_175 : i32
      %add3A_177 = arith.constant 4 : i32
      %add3A_178 = arith.addi %mul3A_176, %add3A_177 : i32
      %dma_wait3A_179 = arith.constant 1 : i32
      %dma_wait3A_180 = arith.constant 0 : i32
      %dma_wait3A_181 = tpu.memref_slice %arg4[%add3A_178, %dma_wait3A_179, %dma_wait3A_180] : memref<80x2x128xi32, #tpu.memory_space<vmem>> -> memref<1x1x128xi32, #tpu.memory_space<vmem>>
      %dma_wait3A_182 = tpu.memref_squeeze %dma_wait3A_181 : memref<1x1x128xi32, #tpu.memory_space<vmem>> -> memref<128xi32, #tpu.memory_space<vmem>>
      %dma_wait3A_183 = arith.constant 0 : i32
      %dma_wait3A_184 = tpu.memref_slice %arg7[%dma_wait3A_183] : memref<10240xf32, #tpu.memory_space<vmem_shared>> -> memref<10240xf32, #tpu.memory_space<vmem_shared>>
      tpu.wait_indirect_dma semaphore(%arg8 : memref<!tpu.dma_semaphore, #tpu.memory_space<semaphore_mem>>) src(%arg5 : memref<128xf32, #tpu.memory_space<vmem>>) dst(%dma_wait3A_184 : memref<10240xf32, #tpu.memory_space<vmem_shared>>)
      %mul3A_185 = arith.constant 8 : i32
      %mul3A_186 = arith.muli %scan3A_55, %mul3A_185 : i32
      %add3A_187 = arith.constant 5 : i32
      %add3A_188 = arith.addi %mul3A_186, %add3A_187 : i32
      %dma_wait3A_189 = arith.constant 1 : i32
      %dma_wait3A_190 = arith.constant 0 : i32
      %dma_wait3A_191 = tpu.memref_slice %arg4[%add3A_188, %dma_wait3A_189, %dma_wait3A_190] : memref<80x2x128xi32, #tpu.memory_space<vmem>> -> memref<1x1x128xi32, #tpu.memory_space<vmem>>
      %dma_wait3A_192 = tpu.memref_squeeze %dma_wait3A_191 : memref<1x1x128xi32, #tpu.memory_space<vmem>> -> memref<128xi32, #tpu.memory_space<vmem>>
      %dma_wait3A_193 = arith.constant 0 : i32
      %dma_wait3A_194 = tpu.memref_slice %arg7[%dma_wait3A_193] : memref<10240xf32, #tpu.memory_space<vmem_shared>> -> memref<10240xf32, #tpu.memory_space<vmem_shared>>
      tpu.wait_indirect_dma semaphore(%arg8 : memref<!tpu.dma_semaphore, #tpu.memory_space<semaphore_mem>>) src(%arg5 : memref<128xf32, #tpu.memory_space<vmem>>) dst(%dma_wait3A_194 : memref<10240xf32, #tpu.memory_space<vmem_shared>>)
      %mul3A_195 = arith.constant 8 : i32
      %mul3A_196 = arith.muli %scan3A_55, %mul3A_195 : i32
      %add3A_197 = arith.constant 6 : i32
      %add3A_198 = arith.addi %mul3A_196, %add3A_197 : i32
      %dma_wait3A_199 = arith.constant 1 : i32
      %dma_wait3A_200 = arith.constant 0 : i32
      %dma_wait3A_201 = tpu.memref_slice %arg4[%add3A_198, %dma_wait3A_199, %dma_wait3A_200] : memref<80x2x128xi32, #tpu.memory_space<vmem>> -> memref<1x1x128xi32, #tpu.memory_space<vmem>>
      %dma_wait3A_202 = tpu.memref_squeeze %dma_wait3A_201 : memref<1x1x128xi32, #tpu.memory_space<vmem>> -> memref<128xi32, #tpu.memory_space<vmem>>
      %dma_wait3A_203 = arith.constant 0 : i32
      %dma_wait3A_204 = tpu.memref_slice %arg7[%dma_wait3A_203] : memref<10240xf32, #tpu.memory_space<vmem_shared>> -> memref<10240xf32, #tpu.memory_space<vmem_shared>>
      tpu.wait_indirect_dma semaphore(%arg8 : memref<!tpu.dma_semaphore, #tpu.memory_space<semaphore_mem>>) src(%arg5 : memref<128xf32, #tpu.memory_space<vmem>>) dst(%dma_wait3A_204 : memref<10240xf32, #tpu.memory_space<vmem_shared>>)
      %mul3A_205 = arith.constant 8 : i32
      %mul3A_206 = arith.muli %scan3A_55, %mul3A_205 : i32
      %add3A_207 = arith.constant 7 : i32
      %add3A_208 = arith.addi %mul3A_206, %add3A_207 : i32
      %dma_wait3A_209 = arith.constant 1 : i32
      %dma_wait3A_210 = arith.constant 0 : i32
      %dma_wait3A_211 = tpu.memref_slice %arg4[%add3A_208, %dma_wait3A_209, %dma_wait3A_210] : memref<80x2x128xi32, #tpu.memory_space<vmem>> -> memref<1x1x128xi32, #tpu.memory_space<vmem>>
      %dma_wait3A_212 = tpu.memref_squeeze %dma_wait3A_211 : memref<1x1x128xi32, #tpu.memory_space<vmem>> -> memref<128xi32, #tpu.memory_space<vmem>>
      %dma_wait3A_213 = arith.constant 0 : i32
      %dma_wait3A_214 = tpu.memref_slice %arg7[%dma_wait3A_213] : memref<10240xf32, #tpu.memory_space<vmem_shared>> -> memref<10240xf32, #tpu.memory_space<vmem_shared>>
      tpu.wait_indirect_dma semaphore(%arg8 : memref<!tpu.dma_semaphore, #tpu.memory_space<semaphore_mem>>) src(%arg5 : memref<128xf32, #tpu.memory_space<vmem>>) dst(%dma_wait3A_214 : memref<10240xf32, #tpu.memory_space<vmem_shared>>)
      %scan3A_215 = arith.constant 0 : i32
      scf.yield %scan3A_215 : i32
    }
    %scan3A_51 = arith.constant 10 : i32
    %barrier3A_52 = arith.constant 0 : index
    tpu.barrier barrier_id(%barrier3A_52)
    %mul3A_53 = arith.constant 640 : i32
    %mul3A_54 = arith.muli %arg1, %mul3A_53 : i32
    "tpu.region"() ({
      %run_scoped3A = tpu.sem_alloc : memref<!tpu.dma_semaphore, #tpu.memory_space<semaphore_mem>>
      %dma_start3A = arith.constant 0 : i32
      %dma_start3A_55 = tpu.memref_slice %arg3[%arg0, %arg1, %dma_start3A] : memref<2x16x640xf32, #tpu.memory_space<hbm>> -> memref<1x1x640xf32, #tpu.memory_space<hbm>>
      %dma_start3A_56 = tpu.memref_squeeze %dma_start3A_55 : memref<1x1x640xf32, #tpu.memory_space<hbm>> -> memref<640xf32, #tpu.memory_space<hbm>>
      %dma_start3A_57 = tpu.memref_slice %arg7[%mul3A_54] : memref<10240xf32, #tpu.memory_space<vmem_shared>> -> memref<640xf32, #tpu.memory_space<vmem_shared>>
      tpu.enqueue_dma source(%dma_start3A_57 : memref<640xf32, #tpu.memory_space<vmem_shared>>) target(%dma_start3A_56 : memref<640xf32, #tpu.memory_space<hbm>>) target_semaphore(%run_scoped3A : memref<!tpu.dma_semaphore, #tpu.memory_space<semaphore_mem>>)
      %dma_wait3A = arith.constant 0 : i32
      %dma_wait3A_58 = tpu.memref_slice %arg3[%arg0, %arg1, %dma_wait3A] : memref<2x16x640xf32, #tpu.memory_space<hbm>> -> memref<1x1x640xf32, #tpu.memory_space<hbm>>
      %dma_wait3A_59 = tpu.memref_squeeze %dma_wait3A_58 : memref<1x1x640xf32, #tpu.memory_space<hbm>> -> memref<640xf32, #tpu.memory_space<hbm>>
      %dma_wait3A_60 = tpu.memref_slice %arg7[%mul3A_54] : memref<10240xf32, #tpu.memory_space<vmem_shared>> -> memref<640xf32, #tpu.memory_space<vmem_shared>>
      tpu.wait_dma2 semaphore(%run_scoped3A : memref<!tpu.dma_semaphore, #tpu.memory_space<semaphore_mem>>) src(%dma_wait3A_60 : memref<640xf32, #tpu.memory_space<vmem_shared>>) dst(%dma_wait3A_59 : memref<640xf32, #tpu.memory_space<hbm>>)
      tpu.yield
    }) : () -> ()
    return
  }
}

#map = affine_map<(d0, d1) -> (0, 0)>
#map1 = affine_map<(d0, d1) -> (0, 0, 0)>
#map2 = affine_map<(d0, d1) -> (0, 0, 0, 0)>
module attributes {stable_mosaic.version = 14 : i64} {
  func.func @_agg_kernel(%arg0: i32, %arg1: i32, %arg2: memref<10240x128xf32, #tpu.memory_space<hbm>>, %arg3: memref<2560x2x128xi32, #tpu.memory_space<hbm>>, %arg4: memref<2x16x640x128xf32, #tpu.memory_space<hbm>>, %arg5: memref<2x128xi32, #tpu.memory_space<vmem>>, %arg6: memref<2x128xi32, #tpu.memory_space<vmem>>, %arg7: memref<2x128xi32, #tpu.memory_space<vmem>>, %arg8: memref<2x128xi32, #tpu.memory_space<vmem>>, %arg9: memref<128x128xf32, #tpu.memory_space<vmem>>, %arg10: memref<128x128xf32, #tpu.memory_space<vmem>>, %arg11: memref<10240x128xf32, #tpu.memory_space<vmem_shared>>, %arg12: memref<!tpu.dma_semaphore, #tpu.memory_space<semaphore_mem>>, %arg13: memref<!tpu.dma_semaphore, #tpu.memory_space<semaphore_mem>>, %arg14: memref<!tpu.dma_semaphore, #tpu.memory_space<semaphore_mem>>, %arg15: memref<!tpu.dma_semaphore, #tpu.memory_space<semaphore_mem>>, %arg16: memref<!tpu.dma_semaphore, #tpu.memory_space<semaphore_mem>>, %arg17: memref<!tpu.dma_semaphore, #tpu.memory_space<semaphore_mem>>) attributes {dimension_semantics = [#tpu.dimension_semantics<core_parallel>, #tpu.dimension_semantics<subcore_parallel>], iteration_bounds = array<i64: 2, 16>, scalar_prefetch = 0 : i64, scratch_operands = 13 : i64, tpu.core_type = #tpu.core_type<sc_vector_subcore>, window_params = [{transform_indices = #map}, {transform_indices = #map1}, {transform_indices = #map2}]} {
    %eq3A = arith.constant 0 : i32
    %eq3A_0 = arith.cmpi eq, %arg0, %eq3A : i32
    %mul3A = arith.constant 144 : i32
    %mul3A_1 = arith.muli %arg1, %mul3A : i32
    %mul3A_2 = arith.constant 16 : i32
    %mul3A_3 = arith.muli %arg1, %mul3A_2 : i32
    %add3A = arith.constant 2304 : i32
    %add3A_4 = arith.addi %add3A, %mul3A_3 : i32
    %select_n3A = arith.select %eq3A_0, %mul3A_1, %add3A_4 : i32
    %eq3A_5 = arith.constant 0 : i32
    %eq3A_6 = arith.cmpi eq, %arg0, %eq3A_5 : i32
    %jit3A = arith.constant 36 : i32
    %jit3A_7 = arith.constant 4 : i32
    %select_n3A_8 = arith.select %eq3A_6, %jit3A, %jit3A_7 : i32
    %broadcast_in_dim3A = arith.constant 0.000000e+00 : f32
    %broadcast_in_dim3A_9 = vector.broadcast %broadcast_in_dim3A : f32 to vector<16xf32>
    %scan3A = arith.constant 0 : i32
    %scan3A_10 = arith.constant 0 : i32
    %scan3A_11 = arith.constant 128 : i32
    %scan3A_12 = arith.addi %scan3A_10, %scan3A_11 : i32
    %scan3A_13 = arith.constant 1 : i32
    %scan3A_14 = scf.for %scan3A_105 = %scan3A_10 to %scan3A_12 step %scan3A_13 iter_args(%scan3A_106 = %scan3A) -> (i32)  : i32 {
      %swap3A = arith.index_cast %scan3A_105 : i32 to index
      %swap3A_107 = arith.constant 0 : index
      %swap3A_108 = tpu.vector_load %arg9[%swap3A, %swap3A_107] {strides = array<i32>} : memref<128x128xf32, #tpu.memory_space<vmem>>, vector<1x16xf32>,
      %swap3A_109 = vector.shape_cast %swap3A_108 : vector<1x16xf32> to vector<16xf32>
      %swap3A_110 = vector.shape_cast %broadcast_in_dim3A_9 : vector<16xf32> to vector<1x16xf32>
      tpu.vector_store %arg9[%swap3A, %swap3A_107], %swap3A_110 {strides = array<i32>} : memref<128x128xf32, #tpu.memory_space<vmem>>, vector<1x16xf32>,
      %swap3A_111 = arith.index_cast %scan3A_105 : i32 to index
      %swap3A_112 = arith.constant 16 : index
      %swap3A_113 = tpu.vector_load %arg9[%swap3A_111, %swap3A_112] {strides = array<i32>} : memref<128x128xf32, #tpu.memory_space<vmem>>, vector<1x16xf32>,
      %swap3A_114 = vector.shape_cast %swap3A_113 : vector<1x16xf32> to vector<16xf32>
      %swap3A_115 = vector.shape_cast %broadcast_in_dim3A_9 : vector<16xf32> to vector<1x16xf32>
      tpu.vector_store %arg9[%swap3A_111, %swap3A_112], %swap3A_115 {strides = array<i32>} : memref<128x128xf32, #tpu.memory_space<vmem>>, vector<1x16xf32>,
      %swap3A_116 = arith.index_cast %scan3A_105 : i32 to index
      %swap3A_117 = arith.constant 32 : index
      %swap3A_118 = tpu.vector_load %arg9[%swap3A_116, %swap3A_117] {strides = array<i32>} : memref<128x128xf32, #tpu.memory_space<vmem>>, vector<1x16xf32>,
      %swap3A_119 = vector.shape_cast %swap3A_118 : vector<1x16xf32> to vector<16xf32>
      %swap3A_120 = vector.shape_cast %broadcast_in_dim3A_9 : vector<16xf32> to vector<1x16xf32>
      tpu.vector_store %arg9[%swap3A_116, %swap3A_117], %swap3A_120 {strides = array<i32>} : memref<128x128xf32, #tpu.memory_space<vmem>>, vector<1x16xf32>,
      %swap3A_121 = arith.index_cast %scan3A_105 : i32 to index
      %swap3A_122 = arith.constant 48 : index
      %swap3A_123 = tpu.vector_load %arg9[%swap3A_121, %swap3A_122] {strides = array<i32>} : memref<128x128xf32, #tpu.memory_space<vmem>>, vector<1x16xf32>,
      %swap3A_124 = vector.shape_cast %swap3A_123 : vector<1x16xf32> to vector<16xf32>
      %swap3A_125 = vector.shape_cast %broadcast_in_dim3A_9 : vector<16xf32> to vector<1x16xf32>
      tpu.vector_store %arg9[%swap3A_121, %swap3A_122], %swap3A_125 {strides = array<i32>} : memref<128x128xf32, #tpu.memory_space<vmem>>, vector<1x16xf32>,
      %swap3A_126 = arith.index_cast %scan3A_105 : i32 to index
      %swap3A_127 = arith.constant 64 : index
      %swap3A_128 = tpu.vector_load %arg9[%swap3A_126, %swap3A_127] {strides = array<i32>} : memref<128x128xf32, #tpu.memory_space<vmem>>, vector<1x16xf32>,
      %swap3A_129 = vector.shape_cast %swap3A_128 : vector<1x16xf32> to vector<16xf32>
      %swap3A_130 = vector.shape_cast %broadcast_in_dim3A_9 : vector<16xf32> to vector<1x16xf32>
      tpu.vector_store %arg9[%swap3A_126, %swap3A_127], %swap3A_130 {strides = array<i32>} : memref<128x128xf32, #tpu.memory_space<vmem>>, vector<1x16xf32>,
      %swap3A_131 = arith.index_cast %scan3A_105 : i32 to index
      %swap3A_132 = arith.constant 80 : index
      %swap3A_133 = tpu.vector_load %arg9[%swap3A_131, %swap3A_132] {strides = array<i32>} : memref<128x128xf32, #tpu.memory_space<vmem>>, vector<1x16xf32>,
      %swap3A_134 = vector.shape_cast %swap3A_133 : vector<1x16xf32> to vector<16xf32>
      %swap3A_135 = vector.shape_cast %broadcast_in_dim3A_9 : vector<16xf32> to vector<1x16xf32>
      tpu.vector_store %arg9[%swap3A_131, %swap3A_132], %swap3A_135 {strides = array<i32>} : memref<128x128xf32, #tpu.memory_space<vmem>>, vector<1x16xf32>,
      %swap3A_136 = arith.index_cast %scan3A_105 : i32 to index
      %swap3A_137 = arith.constant 96 : index
      %swap3A_138 = tpu.vector_load %arg9[%swap3A_136, %swap3A_137] {strides = array<i32>} : memref<128x128xf32, #tpu.memory_space<vmem>>, vector<1x16xf32>,
      %swap3A_139 = vector.shape_cast %swap3A_138 : vector<1x16xf32> to vector<16xf32>
      %swap3A_140 = vector.shape_cast %broadcast_in_dim3A_9 : vector<16xf32> to vector<1x16xf32>
      tpu.vector_store %arg9[%swap3A_136, %swap3A_137], %swap3A_140 {strides = array<i32>} : memref<128x128xf32, #tpu.memory_space<vmem>>, vector<1x16xf32>,
      %swap3A_141 = arith.index_cast %scan3A_105 : i32 to index
      %swap3A_142 = arith.constant 112 : index
      %swap3A_143 = tpu.vector_load %arg9[%swap3A_141, %swap3A_142] {strides = array<i32>} : memref<128x128xf32, #tpu.memory_space<vmem>>, vector<1x16xf32>,
      %swap3A_144 = vector.shape_cast %swap3A_143 : vector<1x16xf32> to vector<16xf32>
      %swap3A_145 = vector.shape_cast %broadcast_in_dim3A_9 : vector<16xf32> to vector<1x16xf32>
      tpu.vector_store %arg9[%swap3A_141, %swap3A_142], %swap3A_145 {strides = array<i32>} : memref<128x128xf32, #tpu.memory_space<vmem>>, vector<1x16xf32>,
      %scan3A_146 = arith.constant 0 : i32
      scf.yield %scan3A_146 : i32
    }
    %scan3A_15 = arith.constant 128 : i32
    %mul3A_16 = arith.constant 640 : i32
    %mul3A_17 = arith.muli %arg1, %mul3A_16 : i32
    %add3A_18 = arith.constant 0 : i32
    %add3A_19 = arith.addi %mul3A_17, %add3A_18 : i32
    "tpu.region"() ({
      %run_scoped3A = tpu.sem_alloc : memref<!tpu.dma_semaphore, #tpu.memory_space<semaphore_mem>>
      %dma_start3A_105 = arith.constant 0 : i32
      %dma_start3A_106 = tpu.memref_slice %arg11[%add3A_19, %dma_start3A_105] : memref<10240x128xf32, #tpu.memory_space<vmem_shared>> -> memref<128x128xf32, #tpu.memory_space<vmem_shared>>
      %dma_start3A_107 = arith.constant 0 : i32
      %dma_start3A_108 = tpu.memref_slice %arg11[%add3A_19, %dma_start3A_107] : memref<10240x128xf32, #tpu.memory_space<vmem_shared>> -> memref<128x128xf32, #tpu.memory_space<vmem_shared>>
      tpu.enqueue_dma source(%arg9 : memref<128x128xf32, #tpu.memory_space<vmem>>) target(%dma_start3A_108 : memref<128x128xf32, #tpu.memory_space<vmem_shared>>) target_semaphore(%run_scoped3A : memref<!tpu.dma_semaphore, #tpu.memory_space<semaphore_mem>>)
      %dma_wait3A_109 = arith.constant 0 : i32
      %dma_wait3A_110 = tpu.memref_slice %arg11[%add3A_19, %dma_wait3A_109] : memref<10240x128xf32, #tpu.memory_space<vmem_shared>> -> memref<128x128xf32, #tpu.memory_space<vmem_shared>>
      %dma_wait3A_111 = arith.constant 0 : i32
      %dma_wait3A_112 = tpu.memref_slice %arg11[%add3A_19, %dma_wait3A_111] : memref<10240x128xf32, #tpu.memory_space<vmem_shared>> -> memref<128x128xf32, #tpu.memory_space<vmem_shared>>
      tpu.wait_dma2 semaphore(%run_scoped3A : memref<!tpu.dma_semaphore, #tpu.memory_space<semaphore_mem>>) src(%arg9 : memref<128x128xf32, #tpu.memory_space<vmem>>) dst(%dma_wait3A_112 : memref<128x128xf32, #tpu.memory_space<vmem_shared>>)
      tpu.yield
    }) : () -> ()
    %mul3A_20 = arith.constant 640 : i32
    %mul3A_21 = arith.muli %arg1, %mul3A_20 : i32
    %add3A_22 = arith.constant 128 : i32
    %add3A_23 = arith.addi %mul3A_21, %add3A_22 : i32
    "tpu.region"() ({
      %run_scoped3A = tpu.sem_alloc : memref<!tpu.dma_semaphore, #tpu.memory_space<semaphore_mem>>
      %dma_start3A_105 = arith.constant 0 : i32
      %dma_start3A_106 = tpu.memref_slice %arg11[%add3A_23, %dma_start3A_105] : memref<10240x128xf32, #tpu.memory_space<vmem_shared>> -> memref<128x128xf32, #tpu.memory_space<vmem_shared>>
      %dma_start3A_107 = arith.constant 0 : i32
      %dma_start3A_108 = tpu.memref_slice %arg11[%add3A_23, %dma_start3A_107] : memref<10240x128xf32, #tpu.memory_space<vmem_shared>> -> memref<128x128xf32, #tpu.memory_space<vmem_shared>>
      tpu.enqueue_dma source(%arg9 : memref<128x128xf32, #tpu.memory_space<vmem>>) target(%dma_start3A_108 : memref<128x128xf32, #tpu.memory_space<vmem_shared>>) target_semaphore(%run_scoped3A : memref<!tpu.dma_semaphore, #tpu.memory_space<semaphore_mem>>)
      %dma_wait3A_109 = arith.constant 0 : i32
      %dma_wait3A_110 = tpu.memref_slice %arg11[%add3A_23, %dma_wait3A_109] : memref<10240x128xf32, #tpu.memory_space<vmem_shared>> -> memref<128x128xf32, #tpu.memory_space<vmem_shared>>
      %dma_wait3A_111 = arith.constant 0 : i32
      %dma_wait3A_112 = tpu.memref_slice %arg11[%add3A_23, %dma_wait3A_111] : memref<10240x128xf32, #tpu.memory_space<vmem_shared>> -> memref<128x128xf32, #tpu.memory_space<vmem_shared>>
      tpu.wait_dma2 semaphore(%run_scoped3A : memref<!tpu.dma_semaphore, #tpu.memory_space<semaphore_mem>>) src(%arg9 : memref<128x128xf32, #tpu.memory_space<vmem>>) dst(%dma_wait3A_112 : memref<128x128xf32, #tpu.memory_space<vmem_shared>>)
      tpu.yield
    }) : () -> ()
    %mul3A_24 = arith.constant 640 : i32
    %mul3A_25 = arith.muli %arg1, %mul3A_24 : i32
    %add3A_26 = arith.constant 256 : i32
    %add3A_27 = arith.addi %mul3A_25, %add3A_26 : i32
    "tpu.region"() ({
      %run_scoped3A = tpu.sem_alloc : memref<!tpu.dma_semaphore, #tpu.memory_space<semaphore_mem>>
      %dma_start3A_105 = arith.constant 0 : i32
      %dma_start3A_106 = tpu.memref_slice %arg11[%add3A_27, %dma_start3A_105] : memref<10240x128xf32, #tpu.memory_space<vmem_shared>> -> memref<128x128xf32, #tpu.memory_space<vmem_shared>>
      %dma_start3A_107 = arith.constant 0 : i32
      %dma_start3A_108 = tpu.memref_slice %arg11[%add3A_27, %dma_start3A_107] : memref<10240x128xf32, #tpu.memory_space<vmem_shared>> -> memref<128x128xf32, #tpu.memory_space<vmem_shared>>
      tpu.enqueue_dma source(%arg9 : memref<128x128xf32, #tpu.memory_space<vmem>>) target(%dma_start3A_108 : memref<128x128xf32, #tpu.memory_space<vmem_shared>>) target_semaphore(%run_scoped3A : memref<!tpu.dma_semaphore, #tpu.memory_space<semaphore_mem>>)
      %dma_wait3A_109 = arith.constant 0 : i32
      %dma_wait3A_110 = tpu.memref_slice %arg11[%add3A_27, %dma_wait3A_109] : memref<10240x128xf32, #tpu.memory_space<vmem_shared>> -> memref<128x128xf32, #tpu.memory_space<vmem_shared>>
      %dma_wait3A_111 = arith.constant 0 : i32
      %dma_wait3A_112 = tpu.memref_slice %arg11[%add3A_27, %dma_wait3A_111] : memref<10240x128xf32, #tpu.memory_space<vmem_shared>> -> memref<128x128xf32, #tpu.memory_space<vmem_shared>>
      tpu.wait_dma2 semaphore(%run_scoped3A : memref<!tpu.dma_semaphore, #tpu.memory_space<semaphore_mem>>) src(%arg9 : memref<128x128xf32, #tpu.memory_space<vmem>>) dst(%dma_wait3A_112 : memref<128x128xf32, #tpu.memory_space<vmem_shared>>)
      tpu.yield
    }) : () -> ()
    %mul3A_28 = arith.constant 640 : i32
    %mul3A_29 = arith.muli %arg1, %mul3A_28 : i32
    %add3A_30 = arith.constant 384 : i32
    %add3A_31 = arith.addi %mul3A_29, %add3A_30 : i32
    "tpu.region"() ({
      %run_scoped3A = tpu.sem_alloc : memref<!tpu.dma_semaphore, #tpu.memory_space<semaphore_mem>>
      %dma_start3A_105 = arith.constant 0 : i32
      %dma_start3A_106 = tpu.memref_slice %arg11[%add3A_31, %dma_start3A_105] : memref<10240x128xf32, #tpu.memory_space<vmem_shared>> -> memref<128x128xf32, #tpu.memory_space<vmem_shared>>
      %dma_start3A_107 = arith.constant 0 : i32
      %dma_start3A_108 = tpu.memref_slice %arg11[%add3A_31, %dma_start3A_107] : memref<10240x128xf32, #tpu.memory_space<vmem_shared>> -> memref<128x128xf32, #tpu.memory_space<vmem_shared>>
      tpu.enqueue_dma source(%arg9 : memref<128x128xf32, #tpu.memory_space<vmem>>) target(%dma_start3A_108 : memref<128x128xf32, #tpu.memory_space<vmem_shared>>) target_semaphore(%run_scoped3A : memref<!tpu.dma_semaphore, #tpu.memory_space<semaphore_mem>>)
      %dma_wait3A_109 = arith.constant 0 : i32
      %dma_wait3A_110 = tpu.memref_slice %arg11[%add3A_31, %dma_wait3A_109] : memref<10240x128xf32, #tpu.memory_space<vmem_shared>> -> memref<128x128xf32, #tpu.memory_space<vmem_shared>>
      %dma_wait3A_111 = arith.constant 0 : i32
      %dma_wait3A_112 = tpu.memref_slice %arg11[%add3A_31, %dma_wait3A_111] : memref<10240x128xf32, #tpu.memory_space<vmem_shared>> -> memref<128x128xf32, #tpu.memory_space<vmem_shared>>
      tpu.wait_dma2 semaphore(%run_scoped3A : memref<!tpu.dma_semaphore, #tpu.memory_space<semaphore_mem>>) src(%arg9 : memref<128x128xf32, #tpu.memory_space<vmem>>) dst(%dma_wait3A_112 : memref<128x128xf32, #tpu.memory_space<vmem_shared>>)
      tpu.yield
    }) : () -> ()
    %mul3A_32 = arith.constant 640 : i32
    %mul3A_33 = arith.muli %arg1, %mul3A_32 : i32
    %add3A_34 = arith.constant 512 : i32
    %add3A_35 = arith.addi %mul3A_33, %add3A_34 : i32
    "tpu.region"() ({
      %run_scoped3A = tpu.sem_alloc : memref<!tpu.dma_semaphore, #tpu.memory_space<semaphore_mem>>
      %dma_start3A_105 = arith.constant 0 : i32
      %dma_start3A_106 = tpu.memref_slice %arg11[%add3A_35, %dma_start3A_105] : memref<10240x128xf32, #tpu.memory_space<vmem_shared>> -> memref<128x128xf32, #tpu.memory_space<vmem_shared>>
      %dma_start3A_107 = arith.constant 0 : i32
      %dma_start3A_108 = tpu.memref_slice %arg11[%add3A_35, %dma_start3A_107] : memref<10240x128xf32, #tpu.memory_space<vmem_shared>> -> memref<128x128xf32, #tpu.memory_space<vmem_shared>>
      tpu.enqueue_dma source(%arg9 : memref<128x128xf32, #tpu.memory_space<vmem>>) target(%dma_start3A_108 : memref<128x128xf32, #tpu.memory_space<vmem_shared>>) target_semaphore(%run_scoped3A : memref<!tpu.dma_semaphore, #tpu.memory_space<semaphore_mem>>)
      %dma_wait3A_109 = arith.constant 0 : i32
      %dma_wait3A_110 = tpu.memref_slice %arg11[%add3A_35, %dma_wait3A_109] : memref<10240x128xf32, #tpu.memory_space<vmem_shared>> -> memref<128x128xf32, #tpu.memory_space<vmem_shared>>
      %dma_wait3A_111 = arith.constant 0 : i32
      %dma_wait3A_112 = tpu.memref_slice %arg11[%add3A_35, %dma_wait3A_111] : memref<10240x128xf32, #tpu.memory_space<vmem_shared>> -> memref<128x128xf32, #tpu.memory_space<vmem_shared>>
      tpu.wait_dma2 semaphore(%run_scoped3A : memref<!tpu.dma_semaphore, #tpu.memory_space<semaphore_mem>>) src(%arg9 : memref<128x128xf32, #tpu.memory_space<vmem>>) dst(%dma_wait3A_112 : memref<128x128xf32, #tpu.memory_space<vmem_shared>>)
      tpu.yield
    }) : () -> ()
    %barrier3A = arith.constant 0 : index
    tpu.barrier barrier_id(%barrier3A)
    %add3A_36 = arith.constant 0 : i32
    %add3A_37 = arith.addi %select_n3A, %add3A_36 : i32
    %dma_start3A = arith.constant 0 : i32
    %dma_start3A_38 = arith.constant 0 : i32
    %dma_start3A_39 = tpu.memref_slice %arg3[%add3A_37, %dma_start3A, %dma_start3A_38] : memref<2560x2x128xi32, #tpu.memory_space<hbm>> -> memref<1x2x128xi32, #tpu.memory_space<hbm>>
    %dma_start3A_40 = tpu.memref_squeeze %dma_start3A_39 : memref<1x2x128xi32, #tpu.memory_space<hbm>> -> memref<2x128xi32, #tpu.memory_space<hbm>>
    %dma_start3A_41 = arith.constant 0 : i32
    %dma_start3A_42 = arith.constant 0 : i32
    %dma_start3A_43 = tpu.memref_slice %arg3[%add3A_37, %dma_start3A_41, %dma_start3A_42] : memref<2560x2x128xi32, #tpu.memory_space<hbm>> -> memref<1x2x128xi32, #tpu.memory_space<hbm>>
    %dma_start3A_44 = tpu.memref_squeeze %dma_start3A_43 : memref<1x2x128xi32, #tpu.memory_space<hbm>> -> memref<2x128xi32, #tpu.memory_space<hbm>>
    tpu.enqueue_dma source(%dma_start3A_44 : memref<2x128xi32, #tpu.memory_space<hbm>>) target(%arg5 : memref<2x128xi32, #tpu.memory_space<vmem>>) target_semaphore(%arg14 : memref<!tpu.dma_semaphore, #tpu.memory_space<semaphore_mem>>)
    %add3A_45 = arith.constant 1 : i32
    %add3A_46 = arith.addi %select_n3A, %add3A_45 : i32
    %dma_start3A_47 = arith.constant 0 : i32
    %dma_start3A_48 = arith.constant 0 : i32
    %dma_start3A_49 = tpu.memref_slice %arg3[%add3A_46, %dma_start3A_47, %dma_start3A_48] : memref<2560x2x128xi32, #tpu.memory_space<hbm>> -> memref<1x2x128xi32, #tpu.memory_space<hbm>>
    %dma_start3A_50 = tpu.memref_squeeze %dma_start3A_49 : memref<1x2x128xi32, #tpu.memory_space<hbm>> -> memref<2x128xi32, #tpu.memory_space<hbm>>
    %dma_start3A_51 = arith.constant 0 : i32
    %dma_start3A_52 = arith.constant 0 : i32
    %dma_start3A_53 = tpu.memref_slice %arg3[%add3A_46, %dma_start3A_51, %dma_start3A_52] : memref<2560x2x128xi32, #tpu.memory_space<hbm>> -> memref<1x2x128xi32, #tpu.memory_space<hbm>>
    %dma_start3A_54 = tpu.memref_squeeze %dma_start3A_53 : memref<1x2x128xi32, #tpu.memory_space<hbm>> -> memref<2x128xi32, #tpu.memory_space<hbm>>
    tpu.enqueue_dma source(%dma_start3A_54 : memref<2x128xi32, #tpu.memory_space<hbm>>) target(%arg6 : memref<2x128xi32, #tpu.memory_space<vmem>>) target_semaphore(%arg15 : memref<!tpu.dma_semaphore, #tpu.memory_space<semaphore_mem>>)
    %add3A_55 = arith.constant 2 : i32
    %add3A_56 = arith.addi %select_n3A, %add3A_55 : i32
    %dma_start3A_57 = arith.constant 0 : i32
    %dma_start3A_58 = arith.constant 0 : i32
    %dma_start3A_59 = tpu.memref_slice %arg3[%add3A_56, %dma_start3A_57, %dma_start3A_58] : memref<2560x2x128xi32, #tpu.memory_space<hbm>> -> memref<1x2x128xi32, #tpu.memory_space<hbm>>
    %dma_start3A_60 = tpu.memref_squeeze %dma_start3A_59 : memref<1x2x128xi32, #tpu.memory_space<hbm>> -> memref<2x128xi32, #tpu.memory_space<hbm>>
    %dma_start3A_61 = arith.constant 0 : i32
    %dma_start3A_62 = arith.constant 0 : i32
    %dma_start3A_63 = tpu.memref_slice %arg3[%add3A_56, %dma_start3A_61, %dma_start3A_62] : memref<2560x2x128xi32, #tpu.memory_space<hbm>> -> memref<1x2x128xi32, #tpu.memory_space<hbm>>
    %dma_start3A_64 = tpu.memref_squeeze %dma_start3A_63 : memref<1x2x128xi32, #tpu.memory_space<hbm>> -> memref<2x128xi32, #tpu.memory_space<hbm>>
    tpu.enqueue_dma source(%dma_start3A_64 : memref<2x128xi32, #tpu.memory_space<hbm>>) target(%arg7 : memref<2x128xi32, #tpu.memory_space<vmem>>) target_semaphore(%arg16 : memref<!tpu.dma_semaphore, #tpu.memory_space<semaphore_mem>>)
    %add3A_65 = arith.constant 3 : i32
    %add3A_66 = arith.addi %select_n3A, %add3A_65 : i32
    %dma_start3A_67 = arith.constant 0 : i32
    %dma_start3A_68 = arith.constant 0 : i32
    %dma_start3A_69 = tpu.memref_slice %arg3[%add3A_66, %dma_start3A_67, %dma_start3A_68] : memref<2560x2x128xi32, #tpu.memory_space<hbm>> -> memref<1x2x128xi32, #tpu.memory_space<hbm>>
    %dma_start3A_70 = tpu.memref_squeeze %dma_start3A_69 : memref<1x2x128xi32, #tpu.memory_space<hbm>> -> memref<2x128xi32, #tpu.memory_space<hbm>>
    %dma_start3A_71 = arith.constant 0 : i32
    %dma_start3A_72 = arith.constant 0 : i32
    %dma_start3A_73 = tpu.memref_slice %arg3[%add3A_66, %dma_start3A_71, %dma_start3A_72] : memref<2560x2x128xi32, #tpu.memory_space<hbm>> -> memref<1x2x128xi32, #tpu.memory_space<hbm>>
    %dma_start3A_74 = tpu.memref_squeeze %dma_start3A_73 : memref<1x2x128xi32, #tpu.memory_space<hbm>> -> memref<2x128xi32, #tpu.memory_space<hbm>>
    tpu.enqueue_dma source(%dma_start3A_74 : memref<2x128xi32, #tpu.memory_space<hbm>>) target(%arg8 : memref<2x128xi32, #tpu.memory_space<vmem>>) target_semaphore(%arg17 : memref<!tpu.dma_semaphore, #tpu.memory_space<semaphore_mem>>)
    %add3A_75 = arith.constant 0 : i32
    %add3A_76 = arith.addi %select_n3A, %add3A_75 : i32
    %dma_wait3A = arith.constant 0 : i32
    %dma_wait3A_77 = arith.constant 0 : i32
    %dma_wait3A_78 = tpu.memref_slice %arg3[%add3A_76, %dma_wait3A, %dma_wait3A_77] : memref<2560x2x128xi32, #tpu.memory_space<hbm>> -> memref<1x2x128xi32, #tpu.memory_space<hbm>>
    %dma_wait3A_79 = tpu.memref_squeeze %dma_wait3A_78 : memref<1x2x128xi32, #tpu.memory_space<hbm>> -> memref<2x128xi32, #tpu.memory_space<hbm>>
    %dma_wait3A_80 = arith.constant 0 : i32
    %dma_wait3A_81 = arith.constant 0 : i32
    %dma_wait3A_82 = tpu.memref_slice %arg3[%add3A_76, %dma_wait3A_80, %dma_wait3A_81] : memref<2560x2x128xi32, #tpu.memory_space<hbm>> -> memref<1x2x128xi32, #tpu.memory_space<hbm>>
    %dma_wait3A_83 = tpu.memref_squeeze %dma_wait3A_82 : memref<1x2x128xi32, #tpu.memory_space<hbm>> -> memref<2x128xi32, #tpu.memory_space<hbm>>
    tpu.wait_dma2 semaphore(%arg14 : memref<!tpu.dma_semaphore, #tpu.memory_space<semaphore_mem>>) src(%dma_wait3A_83 : memref<2x128xi32, #tpu.memory_space<hbm>>) dst(%arg5 : memref<2x128xi32, #tpu.memory_space<vmem>>)
    %dma_start3A_84 = arith.constant 0 : i32
    %dma_start3A_85 = arith.constant 0 : i32
    %dma_start3A_86 = tpu.memref_slice %arg5[%dma_start3A_84, %dma_start3A_85] : memref<2x128xi32, #tpu.memory_space<vmem>> -> memref<1x128xi32, #tpu.memory_space<vmem>>
    %dma_start3A_87 = tpu.memref_squeeze %dma_start3A_86 : memref<1x128xi32, #tpu.memory_space<vmem>> -> memref<128xi32, #tpu.memory_space<vmem>>
    %dma_start3A_88 = arith.constant 0 : i32
    %dma_start3A_89 = arith.constant 0 : i32
    %dma_start3A_90 = tpu.memref_slice %arg2[%dma_start3A_88, %dma_start3A_89] : memref<10240x128xf32, #tpu.memory_space<hbm>> -> memref<10240x128xf32, #tpu.memory_space<hbm>>
    tpu.enqueue_indirect_dma source(%dma_start3A_90 : memref<10240x128xf32, #tpu.memory_space<hbm>>) target(%arg9 : memref<128x128xf32, #tpu.memory_space<vmem>>) offsets(%dma_start3A_87 : memref<128xi32, #tpu.memory_space<vmem>>) semaphore(%arg12 : memref<!tpu.dma_semaphore, #tpu.memory_space<semaphore_mem>>)
    %while3A = arith.constant 0 : i32
    %while3A_91 = arith.constant 0 : i32
    %while3A_92 = arith.subi %select_n3A_8, %while3A : i32
    %while3A_93 = arith.addi %while3A, %while3A_92 : i32
    %while3A_94 = arith.constant 1 : i32
    %while3A_95 = arith.divsi %while3A_92, %while3A_94 : i32
    %while3A_96 = arith.muli %while3A_95, %while3A_94 : i32
    %while3A_97 = arith.addi %while3A, %while3A_96 : i32
    %while3A_98 = arith.constant 1 : i32
    %while3A_99 = scf.for %while3A_105 = %while3A to %while3A_97 step %while3A_98 iter_args(%while3A_106 = %while3A_91) -> (i32)  : i32 {
      %mul3A_107 = arith.constant 4 : i32
      %mul3A_108 = arith.muli %mul3A_107, %while3A_105 : i32
      %add3A_109 = arith.constant 1 : i32
      %add3A_110 = arith.addi %while3A_105, %add3A_109 : i32
      %lt3A = arith.cmpi slt, %add3A_110, %select_n3A_8 : i32
      %add3A_111 = arith.constant 1 : i32
      %add3A_112 = arith.addi %mul3A_108, %add3A_111 : i32
      %add3A_113 = arith.addi %select_n3A, %add3A_112 : i32
      %dma_wait3A_114 = arith.constant 0 : i32
      %dma_wait3A_115 = arith.constant 0 : i32
      %dma_wait3A_116 = tpu.memref_slice %arg3[%add3A_113, %dma_wait3A_114, %dma_wait3A_115] : memref<2560x2x128xi32, #tpu.memory_space<hbm>> -> memref<1x2x128xi32, #tpu.memory_space<hbm>>
      %dma_wait3A_117 = tpu.memref_squeeze %dma_wait3A_116 : memref<1x2x128xi32, #tpu.memory_space<hbm>> -> memref<2x128xi32, #tpu.memory_space<hbm>>
      %dma_wait3A_118 = arith.constant 0 : i32
      %dma_wait3A_119 = arith.constant 0 : i32
      %dma_wait3A_120 = tpu.memref_slice %arg3[%add3A_113, %dma_wait3A_118, %dma_wait3A_119] : memref<2560x2x128xi32, #tpu.memory_space<hbm>> -> memref<1x2x128xi32, #tpu.memory_space<hbm>>
      %dma_wait3A_121 = tpu.memref_squeeze %dma_wait3A_120 : memref<1x2x128xi32, #tpu.memory_space<hbm>> -> memref<2x128xi32, #tpu.memory_space<hbm>>
      tpu.wait_dma2 semaphore(%arg15 : memref<!tpu.dma_semaphore, #tpu.memory_space<semaphore_mem>>) src(%dma_wait3A_121 : memref<2x128xi32, #tpu.memory_space<hbm>>) dst(%arg6 : memref<2x128xi32, #tpu.memory_space<vmem>>)
      %dma_start3A_122 = arith.constant 0 : i32
      %dma_start3A_123 = arith.constant 0 : i32
      %dma_start3A_124 = tpu.memref_slice %arg6[%dma_start3A_122, %dma_start3A_123] : memref<2x128xi32, #tpu.memory_space<vmem>> -> memref<1x128xi32, #tpu.memory_space<vmem>>
      %dma_start3A_125 = tpu.memref_squeeze %dma_start3A_124 : memref<1x128xi32, #tpu.memory_space<vmem>> -> memref<128xi32, #tpu.memory_space<vmem>>
      %dma_start3A_126 = arith.constant 0 : i32
      %dma_start3A_127 = arith.constant 0 : i32
      %dma_start3A_128 = tpu.memref_slice %arg2[%dma_start3A_126, %dma_start3A_127] : memref<10240x128xf32, #tpu.memory_space<hbm>> -> memref<10240x128xf32, #tpu.memory_space<hbm>>
      tpu.enqueue_indirect_dma source(%dma_start3A_128 : memref<10240x128xf32, #tpu.memory_space<hbm>>) target(%arg10 : memref<128x128xf32, #tpu.memory_space<vmem>>) offsets(%dma_start3A_125 : memref<128xi32, #tpu.memory_space<vmem>>) semaphore(%arg13 : memref<!tpu.dma_semaphore, #tpu.memory_space<semaphore_mem>>)
      %dma_wait3A_129 = arith.constant 0 : i32
      %dma_wait3A_130 = arith.constant 0 : i32
      %dma_wait3A_131 = tpu.memref_slice %arg5[%dma_wait3A_129, %dma_wait3A_130] : memref<2x128xi32, #tpu.memory_space<vmem>> -> memref<1x128xi32, #tpu.memory_space<vmem>>
      %dma_wait3A_132 = tpu.memref_squeeze %dma_wait3A_131 : memref<1x128xi32, #tpu.memory_space<vmem>> -> memref<128xi32, #tpu.memory_space<vmem>>
      %dma_wait3A_133 = arith.constant 0 : i32
      %dma_wait3A_134 = arith.constant 0 : i32
      %dma_wait3A_135 = tpu.memref_slice %arg2[%dma_wait3A_133, %dma_wait3A_134] : memref<10240x128xf32, #tpu.memory_space<hbm>> -> memref<10240x128xf32, #tpu.memory_space<hbm>>
      tpu.wait_indirect_dma semaphore(%arg12 : memref<!tpu.dma_semaphore, #tpu.memory_space<semaphore_mem>>) src(%dma_wait3A_135 : memref<10240x128xf32, #tpu.memory_space<hbm>>) dst(%arg9 : memref<128x128xf32, #tpu.memory_space<vmem>>)
      %run_scoped3A = arith.constant 1 : i32
      "tpu.region"() ({
        %run_scoped3A_207 = tpu.sem_alloc : memref<!tpu.dma_semaphore, #tpu.memory_space<semaphore_mem>>
        %dma_start3A_208 = arith.constant 0 : i32
        %dma_start3A_209 = tpu.memref_slice %arg5[%run_scoped3A, %dma_start3A_208] : memref<2x128xi32, #tpu.memory_space<vmem>> -> memref<1x128xi32, #tpu.memory_space<vmem>>
        %dma_start3A_210 = tpu.memref_squeeze %dma_start3A_209 : memref<1x128xi32, #tpu.memory_space<vmem>> -> memref<128xi32, #tpu.memory_space<vmem>>
        %dma_start3A_211 = arith.constant 0 : i32
        %dma_start3A_212 = arith.constant 0 : i32
        %dma_start3A_213 = tpu.memref_slice %arg11[%dma_start3A_211, %dma_start3A_212] : memref<10240x128xf32, #tpu.memory_space<vmem_shared>> -> memref<10240x128xf32, #tpu.memory_space<vmem_shared>>
        tpu.enqueue_indirect_dma source(%arg9 : memref<128x128xf32, #tpu.memory_space<vmem>>) target(%dma_start3A_213 : memref<10240x128xf32, #tpu.memory_space<vmem_shared>>) offsets(%dma_start3A_210 : memref<128xi32, #tpu.memory_space<vmem>>) semaphore(%run_scoped3A_207 : memref<!tpu.dma_semaphore, #tpu.memory_space<semaphore_mem>>) {add = true}
        %dma_wait3A_214 = arith.constant 0 : i32
        %dma_wait3A_215 = tpu.memref_slice %arg5[%run_scoped3A, %dma_wait3A_214] : memref<2x128xi32, #tpu.memory_space<vmem>> -> memref<1x128xi32, #tpu.memory_space<vmem>>
        %dma_wait3A_216 = tpu.memref_squeeze %dma_wait3A_215 : memref<1x128xi32, #tpu.memory_space<vmem>> -> memref<128xi32, #tpu.memory_space<vmem>>
        %dma_wait3A_217 = arith.constant 0 : i32
        %dma_wait3A_218 = arith.constant 0 : i32
        %dma_wait3A_219 = tpu.memref_slice %arg11[%dma_wait3A_217, %dma_wait3A_218] : memref<10240x128xf32, #tpu.memory_space<vmem_shared>> -> memref<10240x128xf32, #tpu.memory_space<vmem_shared>>
        tpu.wait_indirect_dma semaphore(%run_scoped3A_207 : memref<!tpu.dma_semaphore, #tpu.memory_space<semaphore_mem>>) src(%arg9 : memref<128x128xf32, #tpu.memory_space<vmem>>) dst(%dma_wait3A_219 : memref<10240x128xf32, #tpu.memory_space<vmem_shared>>)
        tpu.yield
      }) : () -> ()
      %convert_element_type3A = arith.extui %lt3A : i1 to i32
      %cond3A = arith.constant 0 : i32
      %cond3A_136 = arith.cmpi ne, %convert_element_type3A, %cond3A : i32
      scf.if %cond3A_136 {
        %add3A_207 = arith.constant 4 : i32
        %add3A_208 = arith.addi %mul3A_108, %add3A_207 : i32
        %add3A_209 = arith.addi %select_n3A, %add3A_208 : i32
        %dma_start3A_210 = arith.constant 0 : i32
        %dma_start3A_211 = arith.constant 0 : i32
        %dma_start3A_212 = tpu.memref_slice %arg3[%add3A_209, %dma_start3A_210, %dma_start3A_211] : memref<2560x2x128xi32, #tpu.memory_space<hbm>> -> memref<1x2x128xi32, #tpu.memory_space<hbm>>
        %dma_start3A_213 = tpu.memref_squeeze %dma_start3A_212 : memref<1x2x128xi32, #tpu.memory_space<hbm>> -> memref<2x128xi32, #tpu.memory_space<hbm>>
        %dma_start3A_214 = arith.constant 0 : i32
        %dma_start3A_215 = arith.constant 0 : i32
        %dma_start3A_216 = tpu.memref_slice %arg3[%add3A_209, %dma_start3A_214, %dma_start3A_215] : memref<2560x2x128xi32, #tpu.memory_space<hbm>> -> memref<1x2x128xi32, #tpu.memory_space<hbm>>
        %dma_start3A_217 = tpu.memref_squeeze %dma_start3A_216 : memref<1x2x128xi32, #tpu.memory_space<hbm>> -> memref<2x128xi32, #tpu.memory_space<hbm>>
        tpu.enqueue_dma source(%dma_start3A_217 : memref<2x128xi32, #tpu.memory_space<hbm>>) target(%arg5 : memref<2x128xi32, #tpu.memory_space<vmem>>) target_semaphore(%arg14 : memref<!tpu.dma_semaphore, #tpu.memory_space<semaphore_mem>>)
      } else {
      }
      %add3A_137 = arith.constant 2 : i32
      %add3A_138 = arith.addi %mul3A_108, %add3A_137 : i32
      %add3A_139 = arith.addi %select_n3A, %add3A_138 : i32
      %dma_wait3A_140 = arith.constant 0 : i32
      %dma_wait3A_141 = arith.constant 0 : i32
      %dma_wait3A_142 = tpu.memref_slice %arg3[%add3A_139, %dma_wait3A_140, %dma_wait3A_141] : memref<2560x2x128xi32, #tpu.memory_space<hbm>> -> memref<1x2x128xi32, #tpu.memory_space<hbm>>
      %dma_wait3A_143 = tpu.memref_squeeze %dma_wait3A_142 : memref<1x2x128xi32, #tpu.memory_space<hbm>> -> memref<2x128xi32, #tpu.memory_space<hbm>>
      %dma_wait3A_144 = arith.constant 0 : i32
      %dma_wait3A_145 = arith.constant 0 : i32
      %dma_wait3A_146 = tpu.memref_slice %arg3[%add3A_139, %dma_wait3A_144, %dma_wait3A_145] : memref<2560x2x128xi32, #tpu.memory_space<hbm>> -> memref<1x2x128xi32, #tpu.memory_space<hbm>>
      %dma_wait3A_147 = tpu.memref_squeeze %dma_wait3A_146 : memref<1x2x128xi32, #tpu.memory_space<hbm>> -> memref<2x128xi32, #tpu.memory_space<hbm>>
      tpu.wait_dma2 semaphore(%arg16 : memref<!tpu.dma_semaphore, #tpu.memory_space<semaphore_mem>>) src(%dma_wait3A_147 : memref<2x128xi32, #tpu.memory_space<hbm>>) dst(%arg7 : memref<2x128xi32, #tpu.memory_space<vmem>>)
      %dma_start3A_148 = arith.constant 0 : i32
      %dma_start3A_149 = arith.constant 0 : i32
      %dma_start3A_150 = tpu.memref_slice %arg7[%dma_start3A_148, %dma_start3A_149] : memref<2x128xi32, #tpu.memory_space<vmem>> -> memref<1x128xi32, #tpu.memory_space<vmem>>
      %dma_start3A_151 = tpu.memref_squeeze %dma_start3A_150 : memref<1x128xi32, #tpu.memory_space<vmem>> -> memref<128xi32, #tpu.memory_space<vmem>>
      %dma_start3A_152 = arith.constant 0 : i32
      %dma_start3A_153 = arith.constant 0 : i32
      %dma_start3A_154 = tpu.memref_slice %arg2[%dma_start3A_152, %dma_start3A_153] : memref<10240x128xf32, #tpu.memory_space<hbm>> -> memref<10240x128xf32, #tpu.memory_space<hbm>>
      tpu.enqueue_indirect_dma source(%dma_start3A_154 : memref<10240x128xf32, #tpu.memory_space<hbm>>) target(%arg9 : memref<128x128xf32, #tpu.memory_space<vmem>>) offsets(%dma_start3A_151 : memref<128xi32, #tpu.memory_space<vmem>>) semaphore(%arg12 : memref<!tpu.dma_semaphore, #tpu.memory_space<semaphore_mem>>)
      %dma_wait3A_155 = arith.constant 0 : i32
      %dma_wait3A_156 = arith.constant 0 : i32
      %dma_wait3A_157 = tpu.memref_slice %arg6[%dma_wait3A_155, %dma_wait3A_156] : memref<2x128xi32, #tpu.memory_space<vmem>> -> memref<1x128xi32, #tpu.memory_space<vmem>>
      %dma_wait3A_158 = tpu.memref_squeeze %dma_wait3A_157 : memref<1x128xi32, #tpu.memory_space<vmem>> -> memref<128xi32, #tpu.memory_space<vmem>>
      %dma_wait3A_159 = arith.constant 0 : i32
      %dma_wait3A_160 = arith.constant 0 : i32
      %dma_wait3A_161 = tpu.memref_slice %arg2[%dma_wait3A_159, %dma_wait3A_160] : memref<10240x128xf32, #tpu.memory_space<hbm>> -> memref<10240x128xf32, #tpu.memory_space<hbm>>
      tpu.wait_indirect_dma semaphore(%arg13 : memref<!tpu.dma_semaphore, #tpu.memory_space<semaphore_mem>>) src(%dma_wait3A_161 : memref<10240x128xf32, #tpu.memory_space<hbm>>) dst(%arg10 : memref<128x128xf32, #tpu.memory_space<vmem>>)
      %run_scoped3A_162 = arith.constant 1 : i32
      "tpu.region"() ({
        %run_scoped3A_207 = tpu.sem_alloc : memref<!tpu.dma_semaphore, #tpu.memory_space<semaphore_mem>>
        %dma_start3A_208 = arith.constant 0 : i32
        %dma_start3A_209 = tpu.memref_slice %arg6[%run_scoped3A_162, %dma_start3A_208] : memref<2x128xi32, #tpu.memory_space<vmem>> -> memref<1x128xi32, #tpu.memory_space<vmem>>
        %dma_start3A_210 = tpu.memref_squeeze %dma_start3A_209 : memref<1x128xi32, #tpu.memory_space<vmem>> -> memref<128xi32, #tpu.memory_space<vmem>>
        %dma_start3A_211 = arith.constant 0 : i32
        %dma_start3A_212 = arith.constant 0 : i32
        %dma_start3A_213 = tpu.memref_slice %arg11[%dma_start3A_211, %dma_start3A_212] : memref<10240x128xf32, #tpu.memory_space<vmem_shared>> -> memref<10240x128xf32, #tpu.memory_space<vmem_shared>>
        tpu.enqueue_indirect_dma source(%arg10 : memref<128x128xf32, #tpu.memory_space<vmem>>) target(%dma_start3A_213 : memref<10240x128xf32, #tpu.memory_space<vmem_shared>>) offsets(%dma_start3A_210 : memref<128xi32, #tpu.memory_space<vmem>>) semaphore(%run_scoped3A_207 : memref<!tpu.dma_semaphore, #tpu.memory_space<semaphore_mem>>) {add = true}
        %dma_wait3A_214 = arith.constant 0 : i32
        %dma_wait3A_215 = tpu.memref_slice %arg6[%run_scoped3A_162, %dma_wait3A_214] : memref<2x128xi32, #tpu.memory_space<vmem>> -> memref<1x128xi32, #tpu.memory_space<vmem>>
        %dma_wait3A_216 = tpu.memref_squeeze %dma_wait3A_215 : memref<1x128xi32, #tpu.memory_space<vmem>> -> memref<128xi32, #tpu.memory_space<vmem>>
        %dma_wait3A_217 = arith.constant 0 : i32
        %dma_wait3A_218 = arith.constant 0 : i32
        %dma_wait3A_219 = tpu.memref_slice %arg11[%dma_wait3A_217, %dma_wait3A_218] : memref<10240x128xf32, #tpu.memory_space<vmem_shared>> -> memref<10240x128xf32, #tpu.memory_space<vmem_shared>>
        tpu.wait_indirect_dma semaphore(%run_scoped3A_207 : memref<!tpu.dma_semaphore, #tpu.memory_space<semaphore_mem>>) src(%arg10 : memref<128x128xf32, #tpu.memory_space<vmem>>) dst(%dma_wait3A_219 : memref<10240x128xf32, #tpu.memory_space<vmem_shared>>)
        tpu.yield
      }) : () -> ()
      %convert_element_type3A_163 = arith.extui %lt3A : i1 to i32
      %cond3A_164 = arith.constant 0 : i32
      %cond3A_165 = arith.cmpi ne, %convert_element_type3A_163, %cond3A_164 : i32
      scf.if %cond3A_165 {
        %add3A_207 = arith.constant 5 : i32
        %add3A_208 = arith.addi %mul3A_108, %add3A_207 : i32
        %add3A_209 = arith.addi %select_n3A, %add3A_208 : i32
        %dma_start3A_210 = arith.constant 0 : i32
        %dma_start3A_211 = arith.constant 0 : i32
        %dma_start3A_212 = tpu.memref_slice %arg3[%add3A_209, %dma_start3A_210, %dma_start3A_211] : memref<2560x2x128xi32, #tpu.memory_space<hbm>> -> memref<1x2x128xi32, #tpu.memory_space<hbm>>
        %dma_start3A_213 = tpu.memref_squeeze %dma_start3A_212 : memref<1x2x128xi32, #tpu.memory_space<hbm>> -> memref<2x128xi32, #tpu.memory_space<hbm>>
        %dma_start3A_214 = arith.constant 0 : i32
        %dma_start3A_215 = arith.constant 0 : i32
        %dma_start3A_216 = tpu.memref_slice %arg3[%add3A_209, %dma_start3A_214, %dma_start3A_215] : memref<2560x2x128xi32, #tpu.memory_space<hbm>> -> memref<1x2x128xi32, #tpu.memory_space<hbm>>
        %dma_start3A_217 = tpu.memref_squeeze %dma_start3A_216 : memref<1x2x128xi32, #tpu.memory_space<hbm>> -> memref<2x128xi32, #tpu.memory_space<hbm>>
        tpu.enqueue_dma source(%dma_start3A_217 : memref<2x128xi32, #tpu.memory_space<hbm>>) target(%arg6 : memref<2x128xi32, #tpu.memory_space<vmem>>) target_semaphore(%arg15 : memref<!tpu.dma_semaphore, #tpu.memory_space<semaphore_mem>>)
      } else {
      }
      %add3A_166 = arith.constant 3 : i32
      %add3A_167 = arith.addi %mul3A_108, %add3A_166 : i32
      %add3A_168 = arith.addi %select_n3A, %add3A_167 : i32
      %dma_wait3A_169 = arith.constant 0 : i32
      %dma_wait3A_170 = arith.constant 0 : i32
      %dma_wait3A_171 = tpu.memref_slice %arg3[%add3A_168, %dma_wait3A_169, %dma_wait3A_170] : memref<2560x2x128xi32, #tpu.memory_space<hbm>> -> memref<1x2x128xi32, #tpu.memory_space<hbm>>
      %dma_wait3A_172 = tpu.memref_squeeze %dma_wait3A_171 : memref<1x2x128xi32, #tpu.memory_space<hbm>> -> memref<2x128xi32, #tpu.memory_space<hbm>>
      %dma_wait3A_173 = arith.constant 0 : i32
      %dma_wait3A_174 = arith.constant 0 : i32
      %dma_wait3A_175 = tpu.memref_slice %arg3[%add3A_168, %dma_wait3A_173, %dma_wait3A_174] : memref<2560x2x128xi32, #tpu.memory_space<hbm>> -> memref<1x2x128xi32, #tpu.memory_space<hbm>>
      %dma_wait3A_176 = tpu.memref_squeeze %dma_wait3A_175 : memref<1x2x128xi32, #tpu.memory_space<hbm>> -> memref<2x128xi32, #tpu.memory_space<hbm>>
      tpu.wait_dma2 semaphore(%arg17 : memref<!tpu.dma_semaphore, #tpu.memory_space<semaphore_mem>>) src(%dma_wait3A_176 : memref<2x128xi32, #tpu.memory_space<hbm>>) dst(%arg8 : memref<2x128xi32, #tpu.memory_space<vmem>>)
      %dma_start3A_177 = arith.constant 0 : i32
      %dma_start3A_178 = arith.constant 0 : i32
      %dma_start3A_179 = tpu.memref_slice %arg8[%dma_start3A_177, %dma_start3A_178] : memref<2x128xi32, #tpu.memory_space<vmem>> -> memref<1x128xi32, #tpu.memory_space<vmem>>
      %dma_start3A_180 = tpu.memref_squeeze %dma_start3A_179 : memref<1x128xi32, #tpu.memory_space<vmem>> -> memref<128xi32, #tpu.memory_space<vmem>>
      %dma_start3A_181 = arith.constant 0 : i32
      %dma_start3A_182 = arith.constant 0 : i32
      %dma_start3A_183 = tpu.memref_slice %arg2[%dma_start3A_181, %dma_start3A_182] : memref<10240x128xf32, #tpu.memory_space<hbm>> -> memref<10240x128xf32, #tpu.memory_space<hbm>>
      tpu.enqueue_indirect_dma source(%dma_start3A_183 : memref<10240x128xf32, #tpu.memory_space<hbm>>) target(%arg10 : memref<128x128xf32, #tpu.memory_space<vmem>>) offsets(%dma_start3A_180 : memref<128xi32, #tpu.memory_space<vmem>>) semaphore(%arg13 : memref<!tpu.dma_semaphore, #tpu.memory_space<semaphore_mem>>)
      %dma_wait3A_184 = arith.constant 0 : i32
      %dma_wait3A_185 = arith.constant 0 : i32
      %dma_wait3A_186 = tpu.memref_slice %arg7[%dma_wait3A_184, %dma_wait3A_185] : memref<2x128xi32, #tpu.memory_space<vmem>> -> memref<1x128xi32, #tpu.memory_space<vmem>>
      %dma_wait3A_187 = tpu.memref_squeeze %dma_wait3A_186 : memref<1x128xi32, #tpu.memory_space<vmem>> -> memref<128xi32, #tpu.memory_space<vmem>>
      %dma_wait3A_188 = arith.constant 0 : i32
      %dma_wait3A_189 = arith.constant 0 : i32
      %dma_wait3A_190 = tpu.memref_slice %arg2[%dma_wait3A_188, %dma_wait3A_189] : memref<10240x128xf32, #tpu.memory_space<hbm>> -> memref<10240x128xf32, #tpu.memory_space<hbm>>
      tpu.wait_indirect_dma semaphore(%arg12 : memref<!tpu.dma_semaphore, #tpu.memory_space<semaphore_mem>>) src(%dma_wait3A_190 : memref<10240x128xf32, #tpu.memory_space<hbm>>) dst(%arg9 : memref<128x128xf32, #tpu.memory_space<vmem>>)
      %run_scoped3A_191 = arith.constant 1 : i32
      "tpu.region"() ({
        %run_scoped3A_207 = tpu.sem_alloc : memref<!tpu.dma_semaphore, #tpu.memory_space<semaphore_mem>>
        %dma_start3A_208 = arith.constant 0 : i32
        %dma_start3A_209 = tpu.memref_slice %arg7[%run_scoped3A_191, %dma_start3A_208] : memref<2x128xi32, #tpu.memory_space<vmem>> -> memref<1x128xi32, #tpu.memory_space<vmem>>
        %dma_start3A_210 = tpu.memref_squeeze %dma_start3A_209 : memref<1x128xi32, #tpu.memory_space<vmem>> -> memref<128xi32, #tpu.memory_space<vmem>>
        %dma_start3A_211 = arith.constant 0 : i32
        %dma_start3A_212 = arith.constant 0 : i32
        %dma_start3A_213 = tpu.memref_slice %arg11[%dma_start3A_211, %dma_start3A_212] : memref<10240x128xf32, #tpu.memory_space<vmem_shared>> -> memref<10240x128xf32, #tpu.memory_space<vmem_shared>>
        tpu.enqueue_indirect_dma source(%arg9 : memref<128x128xf32, #tpu.memory_space<vmem>>) target(%dma_start3A_213 : memref<10240x128xf32, #tpu.memory_space<vmem_shared>>) offsets(%dma_start3A_210 : memref<128xi32, #tpu.memory_space<vmem>>) semaphore(%run_scoped3A_207 : memref<!tpu.dma_semaphore, #tpu.memory_space<semaphore_mem>>) {add = true}
        %dma_wait3A_214 = arith.constant 0 : i32
        %dma_wait3A_215 = tpu.memref_slice %arg7[%run_scoped3A_191, %dma_wait3A_214] : memref<2x128xi32, #tpu.memory_space<vmem>> -> memref<1x128xi32, #tpu.memory_space<vmem>>
        %dma_wait3A_216 = tpu.memref_squeeze %dma_wait3A_215 : memref<1x128xi32, #tpu.memory_space<vmem>> -> memref<128xi32, #tpu.memory_space<vmem>>
        %dma_wait3A_217 = arith.constant 0 : i32
        %dma_wait3A_218 = arith.constant 0 : i32
        %dma_wait3A_219 = tpu.memref_slice %arg11[%dma_wait3A_217, %dma_wait3A_218] : memref<10240x128xf32, #tpu.memory_space<vmem_shared>> -> memref<10240x128xf32, #tpu.memory_space<vmem_shared>>
        tpu.wait_indirect_dma semaphore(%run_scoped3A_207 : memref<!tpu.dma_semaphore, #tpu.memory_space<semaphore_mem>>) src(%arg9 : memref<128x128xf32, #tpu.memory_space<vmem>>) dst(%dma_wait3A_219 : memref<10240x128xf32, #tpu.memory_space<vmem_shared>>)
        tpu.yield
      }) : () -> ()
      %convert_element_type3A_192 = arith.extui %lt3A : i1 to i32
      %cond3A_193 = arith.constant 0 : i32
      %cond3A_194 = arith.cmpi ne, %convert_element_type3A_192, %cond3A_193 : i32
      scf.if %cond3A_194 {
        %add3A_207 = arith.constant 6 : i32
        %add3A_208 = arith.addi %mul3A_108, %add3A_207 : i32
        %add3A_209 = arith.addi %select_n3A, %add3A_208 : i32
        %dma_start3A_210 = arith.constant 0 : i32
        %dma_start3A_211 = arith.constant 0 : i32
        %dma_start3A_212 = tpu.memref_slice %arg3[%add3A_209, %dma_start3A_210, %dma_start3A_211] : memref<2560x2x128xi32, #tpu.memory_space<hbm>> -> memref<1x2x128xi32, #tpu.memory_space<hbm>>
        %dma_start3A_213 = tpu.memref_squeeze %dma_start3A_212 : memref<1x2x128xi32, #tpu.memory_space<hbm>> -> memref<2x128xi32, #tpu.memory_space<hbm>>
        %dma_start3A_214 = arith.constant 0 : i32
        %dma_start3A_215 = arith.constant 0 : i32
        %dma_start3A_216 = tpu.memref_slice %arg3[%add3A_209, %dma_start3A_214, %dma_start3A_215] : memref<2560x2x128xi32, #tpu.memory_space<hbm>> -> memref<1x2x128xi32, #tpu.memory_space<hbm>>
        %dma_start3A_217 = tpu.memref_squeeze %dma_start3A_216 : memref<1x2x128xi32, #tpu.memory_space<hbm>> -> memref<2x128xi32, #tpu.memory_space<hbm>>
        tpu.enqueue_dma source(%dma_start3A_217 : memref<2x128xi32, #tpu.memory_space<hbm>>) target(%arg7 : memref<2x128xi32, #tpu.memory_space<vmem>>) target_semaphore(%arg16 : memref<!tpu.dma_semaphore, #tpu.memory_space<semaphore_mem>>)
        %add3A_218 = arith.constant 4 : i32
        %add3A_219 = arith.addi %mul3A_108, %add3A_218 : i32
        %add3A_220 = arith.addi %select_n3A, %add3A_219 : i32
        %dma_wait3A_221 = arith.constant 0 : i32
        %dma_wait3A_222 = arith.constant 0 : i32
        %dma_wait3A_223 = tpu.memref_slice %arg3[%add3A_220, %dma_wait3A_221, %dma_wait3A_222] : memref<2560x2x128xi32, #tpu.memory_space<hbm>> -> memref<1x2x128xi32, #tpu.memory_space<hbm>>
        %dma_wait3A_224 = tpu.memref_squeeze %dma_wait3A_223 : memref<1x2x128xi32, #tpu.memory_space<hbm>> -> memref<2x128xi32, #tpu.memory_space<hbm>>
        %dma_wait3A_225 = arith.constant 0 : i32
        %dma_wait3A_226 = arith.constant 0 : i32
        %dma_wait3A_227 = tpu.memref_slice %arg3[%add3A_220, %dma_wait3A_225, %dma_wait3A_226] : memref<2560x2x128xi32, #tpu.memory_space<hbm>> -> memref<1x2x128xi32, #tpu.memory_space<hbm>>
        %dma_wait3A_228 = tpu.memref_squeeze %dma_wait3A_227 : memref<1x2x128xi32, #tpu.memory_space<hbm>> -> memref<2x128xi32, #tpu.memory_space<hbm>>
        tpu.wait_dma2 semaphore(%arg14 : memref<!tpu.dma_semaphore, #tpu.memory_space<semaphore_mem>>) src(%dma_wait3A_228 : memref<2x128xi32, #tpu.memory_space<hbm>>) dst(%arg5 : memref<2x128xi32, #tpu.memory_space<vmem>>)
        %dma_start3A_229 = arith.constant 0 : i32
        %dma_start3A_230 = arith.constant 0 : i32
        %dma_start3A_231 = tpu.memref_slice %arg5[%dma_start3A_229, %dma_start3A_230] : memref<2x128xi32, #tpu.memory_space<vmem>> -> memref<1x128xi32, #tpu.memory_space<vmem>>
        %dma_start3A_232 = tpu.memref_squeeze %dma_start3A_231 : memref<1x128xi32, #tpu.memory_space<vmem>> -> memref<128xi32, #tpu.memory_space<vmem>>
        %dma_start3A_233 = arith.constant 0 : i32
        %dma_start3A_234 = arith.constant 0 : i32
        %dma_start3A_235 = tpu.memref_slice %arg2[%dma_start3A_233, %dma_start3A_234] : memref<10240x128xf32, #tpu.memory_space<hbm>> -> memref<10240x128xf32, #tpu.memory_space<hbm>>
        tpu.enqueue_indirect_dma source(%dma_start3A_235 : memref<10240x128xf32, #tpu.memory_space<hbm>>) target(%arg9 : memref<128x128xf32, #tpu.memory_space<vmem>>) offsets(%dma_start3A_232 : memref<128xi32, #tpu.memory_space<vmem>>) semaphore(%arg12 : memref<!tpu.dma_semaphore, #tpu.memory_space<semaphore_mem>>)
      } else {
      }
      %dma_wait3A_195 = arith.constant 0 : i32
      %dma_wait3A_196 = arith.constant 0 : i32
      %dma_wait3A_197 = tpu.memref_slice %arg8[%dma_wait3A_195, %dma_wait3A_196] : memref<2x128xi32, #tpu.memory_space<vmem>> -> memref<1x128xi32, #tpu.memory_space<vmem>>
      %dma_wait3A_198 = tpu.memref_squeeze %dma_wait3A_197 : memref<1x128xi32, #tpu.memory_space<vmem>> -> memref<128xi32, #tpu.memory_space<vmem>>
      %dma_wait3A_199 = arith.constant 0 : i32
      %dma_wait3A_200 = arith.constant 0 : i32
      %dma_wait3A_201 = tpu.memref_slice %arg2[%dma_wait3A_199, %dma_wait3A_200] : memref<10240x128xf32, #tpu.memory_space<hbm>> -> memref<10240x128xf32, #tpu.memory_space<hbm>>
      tpu.wait_indirect_dma semaphore(%arg13 : memref<!tpu.dma_semaphore, #tpu.memory_space<semaphore_mem>>) src(%dma_wait3A_201 : memref<10240x128xf32, #tpu.memory_space<hbm>>) dst(%arg10 : memref<128x128xf32, #tpu.memory_space<vmem>>)
      %run_scoped3A_202 = arith.constant 1 : i32
      "tpu.region"() ({
        %run_scoped3A_207 = tpu.sem_alloc : memref<!tpu.dma_semaphore, #tpu.memory_space<semaphore_mem>>
        %dma_start3A_208 = arith.constant 0 : i32
        %dma_start3A_209 = tpu.memref_slice %arg8[%run_scoped3A_202, %dma_start3A_208] : memref<2x128xi32, #tpu.memory_space<vmem>> -> memref<1x128xi32, #tpu.memory_space<vmem>>
        %dma_start3A_210 = tpu.memref_squeeze %dma_start3A_209 : memref<1x128xi32, #tpu.memory_space<vmem>> -> memref<128xi32, #tpu.memory_space<vmem>>
        %dma_start3A_211 = arith.constant 0 : i32
        %dma_start3A_212 = arith.constant 0 : i32
        %dma_start3A_213 = tpu.memref_slice %arg11[%dma_start3A_211, %dma_start3A_212] : memref<10240x128xf32, #tpu.memory_space<vmem_shared>> -> memref<10240x128xf32, #tpu.memory_space<vmem_shared>>
        tpu.enqueue_indirect_dma source(%arg10 : memref<128x128xf32, #tpu.memory_space<vmem>>) target(%dma_start3A_213 : memref<10240x128xf32, #tpu.memory_space<vmem_shared>>) offsets(%dma_start3A_210 : memref<128xi32, #tpu.memory_space<vmem>>) semaphore(%run_scoped3A_207 : memref<!tpu.dma_semaphore, #tpu.memory_space<semaphore_mem>>) {add = true}
        %dma_wait3A_214 = arith.constant 0 : i32
        %dma_wait3A_215 = tpu.memref_slice %arg8[%run_scoped3A_202, %dma_wait3A_214] : memref<2x128xi32, #tpu.memory_space<vmem>> -> memref<1x128xi32, #tpu.memory_space<vmem>>
        %dma_wait3A_216 = tpu.memref_squeeze %dma_wait3A_215 : memref<1x128xi32, #tpu.memory_space<vmem>> -> memref<128xi32, #tpu.memory_space<vmem>>
        %dma_wait3A_217 = arith.constant 0 : i32
        %dma_wait3A_218 = arith.constant 0 : i32
        %dma_wait3A_219 = tpu.memref_slice %arg11[%dma_wait3A_217, %dma_wait3A_218] : memref<10240x128xf32, #tpu.memory_space<vmem_shared>> -> memref<10240x128xf32, #tpu.memory_space<vmem_shared>>
        tpu.wait_indirect_dma semaphore(%run_scoped3A_207 : memref<!tpu.dma_semaphore, #tpu.memory_space<semaphore_mem>>) src(%arg10 : memref<128x128xf32, #tpu.memory_space<vmem>>) dst(%dma_wait3A_219 : memref<10240x128xf32, #tpu.memory_space<vmem_shared>>)
        tpu.yield
      }) : () -> ()
      %convert_element_type3A_203 = arith.extui %lt3A : i1 to i32
      %cond3A_204 = arith.constant 0 : i32
      %cond3A_205 = arith.cmpi ne, %convert_element_type3A_203, %cond3A_204 : i32
      scf.if %cond3A_205 {
        %add3A_207 = arith.constant 7 : i32
        %add3A_208 = arith.addi %mul3A_108, %add3A_207 : i32
        %add3A_209 = arith.addi %select_n3A, %add3A_208 : i32
        %dma_start3A_210 = arith.constant 0 : i32
        %dma_start3A_211 = arith.constant 0 : i32
        %dma_start3A_212 = tpu.memref_slice %arg3[%add3A_209, %dma_start3A_210, %dma_start3A_211] : memref<2560x2x128xi32, #tpu.memory_space<hbm>> -> memref<1x2x128xi32, #tpu.memory_space<hbm>>
        %dma_start3A_213 = tpu.memref_squeeze %dma_start3A_212 : memref<1x2x128xi32, #tpu.memory_space<hbm>> -> memref<2x128xi32, #tpu.memory_space<hbm>>
        %dma_start3A_214 = arith.constant 0 : i32
        %dma_start3A_215 = arith.constant 0 : i32
        %dma_start3A_216 = tpu.memref_slice %arg3[%add3A_209, %dma_start3A_214, %dma_start3A_215] : memref<2560x2x128xi32, #tpu.memory_space<hbm>> -> memref<1x2x128xi32, #tpu.memory_space<hbm>>
        %dma_start3A_217 = tpu.memref_squeeze %dma_start3A_216 : memref<1x2x128xi32, #tpu.memory_space<hbm>> -> memref<2x128xi32, #tpu.memory_space<hbm>>
        tpu.enqueue_dma source(%dma_start3A_217 : memref<2x128xi32, #tpu.memory_space<hbm>>) target(%arg8 : memref<2x128xi32, #tpu.memory_space<vmem>>) target_semaphore(%arg17 : memref<!tpu.dma_semaphore, #tpu.memory_space<semaphore_mem>>)
      } else {
      }
      %while3A_206 = arith.constant 0 : i32
      scf.yield %while3A_206 : i32
    }
    %while3A_100 = arith.constant 1 : i32
    %while3A_101 = scf.for %while3A_105 = %while3A_97 to %while3A_93 step %while3A_100 iter_args(%while3A_106 = %while3A_99) -> (i32)  : i32 {
      %mul3A_107 = arith.constant 4 : i32
      %mul3A_108 = arith.muli %mul3A_107, %while3A_105 : i32
      %add3A_109 = arith.constant 1 : i32
      %add3A_110 = arith.addi %while3A_105, %add3A_109 : i32
      %lt3A = arith.cmpi slt, %add3A_110, %select_n3A_8 : i32
      %add3A_111 = arith.constant 1 : i32
      %add3A_112 = arith.addi %mul3A_108, %add3A_111 : i32
      %add3A_113 = arith.addi %select_n3A, %add3A_112 : i32
      %dma_wait3A_114 = arith.constant 0 : i32
      %dma_wait3A_115 = arith.constant 0 : i32
      %dma_wait3A_116 = tpu.memref_slice %arg3[%add3A_113, %dma_wait3A_114, %dma_wait3A_115] : memref<2560x2x128xi32, #tpu.memory_space<hbm>> -> memref<1x2x128xi32, #tpu.memory_space<hbm>>
      %dma_wait3A_117 = tpu.memref_squeeze %dma_wait3A_116 : memref<1x2x128xi32, #tpu.memory_space<hbm>> -> memref<2x128xi32, #tpu.memory_space<hbm>>
      %dma_wait3A_118 = arith.constant 0 : i32
      %dma_wait3A_119 = arith.constant 0 : i32
      %dma_wait3A_120 = tpu.memref_slice %arg3[%add3A_113, %dma_wait3A_118, %dma_wait3A_119] : memref<2560x2x128xi32, #tpu.memory_space<hbm>> -> memref<1x2x128xi32, #tpu.memory_space<hbm>>
      %dma_wait3A_121 = tpu.memref_squeeze %dma_wait3A_120 : memref<1x2x128xi32, #tpu.memory_space<hbm>> -> memref<2x128xi32, #tpu.memory_space<hbm>>
      tpu.wait_dma2 semaphore(%arg15 : memref<!tpu.dma_semaphore, #tpu.memory_space<semaphore_mem>>) src(%dma_wait3A_121 : memref<2x128xi32, #tpu.memory_space<hbm>>) dst(%arg6 : memref<2x128xi32, #tpu.memory_space<vmem>>)
      %dma_start3A_122 = arith.constant 0 : i32
      %dma_start3A_123 = arith.constant 0 : i32
      %dma_start3A_124 = tpu.memref_slice %arg6[%dma_start3A_122, %dma_start3A_123] : memref<2x128xi32, #tpu.memory_space<vmem>> -> memref<1x128xi32, #tpu.memory_space<vmem>>
      %dma_start3A_125 = tpu.memref_squeeze %dma_start3A_124 : memref<1x128xi32, #tpu.memory_space<vmem>> -> memref<128xi32, #tpu.memory_space<vmem>>
      %dma_start3A_126 = arith.constant 0 : i32
      %dma_start3A_127 = arith.constant 0 : i32
      %dma_start3A_128 = tpu.memref_slice %arg2[%dma_start3A_126, %dma_start3A_127] : memref<10240x128xf32, #tpu.memory_space<hbm>> -> memref<10240x128xf32, #tpu.memory_space<hbm>>
      tpu.enqueue_indirect_dma source(%dma_start3A_128 : memref<10240x128xf32, #tpu.memory_space<hbm>>) target(%arg10 : memref<128x128xf32, #tpu.memory_space<vmem>>) offsets(%dma_start3A_125 : memref<128xi32, #tpu.memory_space<vmem>>) semaphore(%arg13 : memref<!tpu.dma_semaphore, #tpu.memory_space<semaphore_mem>>)
      %dma_wait3A_129 = arith.constant 0 : i32
      %dma_wait3A_130 = arith.constant 0 : i32
      %dma_wait3A_131 = tpu.memref_slice %arg5[%dma_wait3A_129, %dma_wait3A_130] : memref<2x128xi32, #tpu.memory_space<vmem>> -> memref<1x128xi32, #tpu.memory_space<vmem>>
      %dma_wait3A_132 = tpu.memref_squeeze %dma_wait3A_131 : memref<1x128xi32, #tpu.memory_space<vmem>> -> memref<128xi32, #tpu.memory_space<vmem>>
      %dma_wait3A_133 = arith.constant 0 : i32
      %dma_wait3A_134 = arith.constant 0 : i32
      %dma_wait3A_135 = tpu.memref_slice %arg2[%dma_wait3A_133, %dma_wait3A_134] : memref<10240x128xf32, #tpu.memory_space<hbm>> -> memref<10240x128xf32, #tpu.memory_space<hbm>>
      tpu.wait_indirect_dma semaphore(%arg12 : memref<!tpu.dma_semaphore, #tpu.memory_space<semaphore_mem>>) src(%dma_wait3A_135 : memref<10240x128xf32, #tpu.memory_space<hbm>>) dst(%arg9 : memref<128x128xf32, #tpu.memory_space<vmem>>)
      %run_scoped3A = arith.constant 1 : i32
      "tpu.region"() ({
        %run_scoped3A_207 = tpu.sem_alloc : memref<!tpu.dma_semaphore, #tpu.memory_space<semaphore_mem>>
        %dma_start3A_208 = arith.constant 0 : i32
        %dma_start3A_209 = tpu.memref_slice %arg5[%run_scoped3A, %dma_start3A_208] : memref<2x128xi32, #tpu.memory_space<vmem>> -> memref<1x128xi32, #tpu.memory_space<vmem>>
        %dma_start3A_210 = tpu.memref_squeeze %dma_start3A_209 : memref<1x128xi32, #tpu.memory_space<vmem>> -> memref<128xi32, #tpu.memory_space<vmem>>
        %dma_start3A_211 = arith.constant 0 : i32
        %dma_start3A_212 = arith.constant 0 : i32
        %dma_start3A_213 = tpu.memref_slice %arg11[%dma_start3A_211, %dma_start3A_212] : memref<10240x128xf32, #tpu.memory_space<vmem_shared>> -> memref<10240x128xf32, #tpu.memory_space<vmem_shared>>
        tpu.enqueue_indirect_dma source(%arg9 : memref<128x128xf32, #tpu.memory_space<vmem>>) target(%dma_start3A_213 : memref<10240x128xf32, #tpu.memory_space<vmem_shared>>) offsets(%dma_start3A_210 : memref<128xi32, #tpu.memory_space<vmem>>) semaphore(%run_scoped3A_207 : memref<!tpu.dma_semaphore, #tpu.memory_space<semaphore_mem>>) {add = true}
        %dma_wait3A_214 = arith.constant 0 : i32
        %dma_wait3A_215 = tpu.memref_slice %arg5[%run_scoped3A, %dma_wait3A_214] : memref<2x128xi32, #tpu.memory_space<vmem>> -> memref<1x128xi32, #tpu.memory_space<vmem>>
        %dma_wait3A_216 = tpu.memref_squeeze %dma_wait3A_215 : memref<1x128xi32, #tpu.memory_space<vmem>> -> memref<128xi32, #tpu.memory_space<vmem>>
        %dma_wait3A_217 = arith.constant 0 : i32
        %dma_wait3A_218 = arith.constant 0 : i32
        %dma_wait3A_219 = tpu.memref_slice %arg11[%dma_wait3A_217, %dma_wait3A_218] : memref<10240x128xf32, #tpu.memory_space<vmem_shared>> -> memref<10240x128xf32, #tpu.memory_space<vmem_shared>>
        tpu.wait_indirect_dma semaphore(%run_scoped3A_207 : memref<!tpu.dma_semaphore, #tpu.memory_space<semaphore_mem>>) src(%arg9 : memref<128x128xf32, #tpu.memory_space<vmem>>) dst(%dma_wait3A_219 : memref<10240x128xf32, #tpu.memory_space<vmem_shared>>)
        tpu.yield
      }) : () -> ()
      %convert_element_type3A = arith.extui %lt3A : i1 to i32
      %cond3A = arith.constant 0 : i32
      %cond3A_136 = arith.cmpi ne, %convert_element_type3A, %cond3A : i32
      scf.if %cond3A_136 {
        %add3A_207 = arith.constant 4 : i32
        %add3A_208 = arith.addi %mul3A_108, %add3A_207 : i32
        %add3A_209 = arith.addi %select_n3A, %add3A_208 : i32
        %dma_start3A_210 = arith.constant 0 : i32
        %dma_start3A_211 = arith.constant 0 : i32
        %dma_start3A_212 = tpu.memref_slice %arg3[%add3A_209, %dma_start3A_210, %dma_start3A_211] : memref<2560x2x128xi32, #tpu.memory_space<hbm>> -> memref<1x2x128xi32, #tpu.memory_space<hbm>>
        %dma_start3A_213 = tpu.memref_squeeze %dma_start3A_212 : memref<1x2x128xi32, #tpu.memory_space<hbm>> -> memref<2x128xi32, #tpu.memory_space<hbm>>
        %dma_start3A_214 = arith.constant 0 : i32
        %dma_start3A_215 = arith.constant 0 : i32
        %dma_start3A_216 = tpu.memref_slice %arg3[%add3A_209, %dma_start3A_214, %dma_start3A_215] : memref<2560x2x128xi32, #tpu.memory_space<hbm>> -> memref<1x2x128xi32, #tpu.memory_space<hbm>>
        %dma_start3A_217 = tpu.memref_squeeze %dma_start3A_216 : memref<1x2x128xi32, #tpu.memory_space<hbm>> -> memref<2x128xi32, #tpu.memory_space<hbm>>
        tpu.enqueue_dma source(%dma_start3A_217 : memref<2x128xi32, #tpu.memory_space<hbm>>) target(%arg5 : memref<2x128xi32, #tpu.memory_space<vmem>>) target_semaphore(%arg14 : memref<!tpu.dma_semaphore, #tpu.memory_space<semaphore_mem>>)
      } else {
      }
      %add3A_137 = arith.constant 2 : i32
      %add3A_138 = arith.addi %mul3A_108, %add3A_137 : i32
      %add3A_139 = arith.addi %select_n3A, %add3A_138 : i32
      %dma_wait3A_140 = arith.constant 0 : i32
      %dma_wait3A_141 = arith.constant 0 : i32
      %dma_wait3A_142 = tpu.memref_slice %arg3[%add3A_139, %dma_wait3A_140, %dma_wait3A_141] : memref<2560x2x128xi32, #tpu.memory_space<hbm>> -> memref<1x2x128xi32, #tpu.memory_space<hbm>>
      %dma_wait3A_143 = tpu.memref_squeeze %dma_wait3A_142 : memref<1x2x128xi32, #tpu.memory_space<hbm>> -> memref<2x128xi32, #tpu.memory_space<hbm>>
      %dma_wait3A_144 = arith.constant 0 : i32
      %dma_wait3A_145 = arith.constant 0 : i32
      %dma_wait3A_146 = tpu.memref_slice %arg3[%add3A_139, %dma_wait3A_144, %dma_wait3A_145] : memref<2560x2x128xi32, #tpu.memory_space<hbm>> -> memref<1x2x128xi32, #tpu.memory_space<hbm>>
      %dma_wait3A_147 = tpu.memref_squeeze %dma_wait3A_146 : memref<1x2x128xi32, #tpu.memory_space<hbm>> -> memref<2x128xi32, #tpu.memory_space<hbm>>
      tpu.wait_dma2 semaphore(%arg16 : memref<!tpu.dma_semaphore, #tpu.memory_space<semaphore_mem>>) src(%dma_wait3A_147 : memref<2x128xi32, #tpu.memory_space<hbm>>) dst(%arg7 : memref<2x128xi32, #tpu.memory_space<vmem>>)
      %dma_start3A_148 = arith.constant 0 : i32
      %dma_start3A_149 = arith.constant 0 : i32
      %dma_start3A_150 = tpu.memref_slice %arg7[%dma_start3A_148, %dma_start3A_149] : memref<2x128xi32, #tpu.memory_space<vmem>> -> memref<1x128xi32, #tpu.memory_space<vmem>>
      %dma_start3A_151 = tpu.memref_squeeze %dma_start3A_150 : memref<1x128xi32, #tpu.memory_space<vmem>> -> memref<128xi32, #tpu.memory_space<vmem>>
      %dma_start3A_152 = arith.constant 0 : i32
      %dma_start3A_153 = arith.constant 0 : i32
      %dma_start3A_154 = tpu.memref_slice %arg2[%dma_start3A_152, %dma_start3A_153] : memref<10240x128xf32, #tpu.memory_space<hbm>> -> memref<10240x128xf32, #tpu.memory_space<hbm>>
      tpu.enqueue_indirect_dma source(%dma_start3A_154 : memref<10240x128xf32, #tpu.memory_space<hbm>>) target(%arg9 : memref<128x128xf32, #tpu.memory_space<vmem>>) offsets(%dma_start3A_151 : memref<128xi32, #tpu.memory_space<vmem>>) semaphore(%arg12 : memref<!tpu.dma_semaphore, #tpu.memory_space<semaphore_mem>>)
      %dma_wait3A_155 = arith.constant 0 : i32
      %dma_wait3A_156 = arith.constant 0 : i32
      %dma_wait3A_157 = tpu.memref_slice %arg6[%dma_wait3A_155, %dma_wait3A_156] : memref<2x128xi32, #tpu.memory_space<vmem>> -> memref<1x128xi32, #tpu.memory_space<vmem>>
      %dma_wait3A_158 = tpu.memref_squeeze %dma_wait3A_157 : memref<1x128xi32, #tpu.memory_space<vmem>> -> memref<128xi32, #tpu.memory_space<vmem>>
      %dma_wait3A_159 = arith.constant 0 : i32
      %dma_wait3A_160 = arith.constant 0 : i32
      %dma_wait3A_161 = tpu.memref_slice %arg2[%dma_wait3A_159, %dma_wait3A_160] : memref<10240x128xf32, #tpu.memory_space<hbm>> -> memref<10240x128xf32, #tpu.memory_space<hbm>>
      tpu.wait_indirect_dma semaphore(%arg13 : memref<!tpu.dma_semaphore, #tpu.memory_space<semaphore_mem>>) src(%dma_wait3A_161 : memref<10240x128xf32, #tpu.memory_space<hbm>>) dst(%arg10 : memref<128x128xf32, #tpu.memory_space<vmem>>)
      %run_scoped3A_162 = arith.constant 1 : i32
      "tpu.region"() ({
        %run_scoped3A_207 = tpu.sem_alloc : memref<!tpu.dma_semaphore, #tpu.memory_space<semaphore_mem>>
        %dma_start3A_208 = arith.constant 0 : i32
        %dma_start3A_209 = tpu.memref_slice %arg6[%run_scoped3A_162, %dma_start3A_208] : memref<2x128xi32, #tpu.memory_space<vmem>> -> memref<1x128xi32, #tpu.memory_space<vmem>>
        %dma_start3A_210 = tpu.memref_squeeze %dma_start3A_209 : memref<1x128xi32, #tpu.memory_space<vmem>> -> memref<128xi32, #tpu.memory_space<vmem>>
        %dma_start3A_211 = arith.constant 0 : i32
        %dma_start3A_212 = arith.constant 0 : i32
        %dma_start3A_213 = tpu.memref_slice %arg11[%dma_start3A_211, %dma_start3A_212] : memref<10240x128xf32, #tpu.memory_space<vmem_shared>> -> memref<10240x128xf32, #tpu.memory_space<vmem_shared>>
        tpu.enqueue_indirect_dma source(%arg10 : memref<128x128xf32, #tpu.memory_space<vmem>>) target(%dma_start3A_213 : memref<10240x128xf32, #tpu.memory_space<vmem_shared>>) offsets(%dma_start3A_210 : memref<128xi32, #tpu.memory_space<vmem>>) semaphore(%run_scoped3A_207 : memref<!tpu.dma_semaphore, #tpu.memory_space<semaphore_mem>>) {add = true}
        %dma_wait3A_214 = arith.constant 0 : i32
        %dma_wait3A_215 = tpu.memref_slice %arg6[%run_scoped3A_162, %dma_wait3A_214] : memref<2x128xi32, #tpu.memory_space<vmem>> -> memref<1x128xi32, #tpu.memory_space<vmem>>
        %dma_wait3A_216 = tpu.memref_squeeze %dma_wait3A_215 : memref<1x128xi32, #tpu.memory_space<vmem>> -> memref<128xi32, #tpu.memory_space<vmem>>
        %dma_wait3A_217 = arith.constant 0 : i32
        %dma_wait3A_218 = arith.constant 0 : i32
        %dma_wait3A_219 = tpu.memref_slice %arg11[%dma_wait3A_217, %dma_wait3A_218] : memref<10240x128xf32, #tpu.memory_space<vmem_shared>> -> memref<10240x128xf32, #tpu.memory_space<vmem_shared>>
        tpu.wait_indirect_dma semaphore(%run_scoped3A_207 : memref<!tpu.dma_semaphore, #tpu.memory_space<semaphore_mem>>) src(%arg10 : memref<128x128xf32, #tpu.memory_space<vmem>>) dst(%dma_wait3A_219 : memref<10240x128xf32, #tpu.memory_space<vmem_shared>>)
        tpu.yield
      }) : () -> ()
      %convert_element_type3A_163 = arith.extui %lt3A : i1 to i32
      %cond3A_164 = arith.constant 0 : i32
      %cond3A_165 = arith.cmpi ne, %convert_element_type3A_163, %cond3A_164 : i32
      scf.if %cond3A_165 {
        %add3A_207 = arith.constant 5 : i32
        %add3A_208 = arith.addi %mul3A_108, %add3A_207 : i32
        %add3A_209 = arith.addi %select_n3A, %add3A_208 : i32
        %dma_start3A_210 = arith.constant 0 : i32
        %dma_start3A_211 = arith.constant 0 : i32
        %dma_start3A_212 = tpu.memref_slice %arg3[%add3A_209, %dma_start3A_210, %dma_start3A_211] : memref<2560x2x128xi32, #tpu.memory_space<hbm>> -> memref<1x2x128xi32, #tpu.memory_space<hbm>>
        %dma_start3A_213 = tpu.memref_squeeze %dma_start3A_212 : memref<1x2x128xi32, #tpu.memory_space<hbm>> -> memref<2x128xi32, #tpu.memory_space<hbm>>
        %dma_start3A_214 = arith.constant 0 : i32
        %dma_start3A_215 = arith.constant 0 : i32
        %dma_start3A_216 = tpu.memref_slice %arg3[%add3A_209, %dma_start3A_214, %dma_start3A_215] : memref<2560x2x128xi32, #tpu.memory_space<hbm>> -> memref<1x2x128xi32, #tpu.memory_space<hbm>>
        %dma_start3A_217 = tpu.memref_squeeze %dma_start3A_216 : memref<1x2x128xi32, #tpu.memory_space<hbm>> -> memref<2x128xi32, #tpu.memory_space<hbm>>
        tpu.enqueue_dma source(%dma_start3A_217 : memref<2x128xi32, #tpu.memory_space<hbm>>) target(%arg6 : memref<2x128xi32, #tpu.memory_space<vmem>>) target_semaphore(%arg15 : memref<!tpu.dma_semaphore, #tpu.memory_space<semaphore_mem>>)
      } else {
      }
      %add3A_166 = arith.constant 3 : i32
      %add3A_167 = arith.addi %mul3A_108, %add3A_166 : i32
      %add3A_168 = arith.addi %select_n3A, %add3A_167 : i32
      %dma_wait3A_169 = arith.constant 0 : i32
      %dma_wait3A_170 = arith.constant 0 : i32
      %dma_wait3A_171 = tpu.memref_slice %arg3[%add3A_168, %dma_wait3A_169, %dma_wait3A_170] : memref<2560x2x128xi32, #tpu.memory_space<hbm>> -> memref<1x2x128xi32, #tpu.memory_space<hbm>>
      %dma_wait3A_172 = tpu.memref_squeeze %dma_wait3A_171 : memref<1x2x128xi32, #tpu.memory_space<hbm>> -> memref<2x128xi32, #tpu.memory_space<hbm>>
      %dma_wait3A_173 = arith.constant 0 : i32
      %dma_wait3A_174 = arith.constant 0 : i32
      %dma_wait3A_175 = tpu.memref_slice %arg3[%add3A_168, %dma_wait3A_173, %dma_wait3A_174] : memref<2560x2x128xi32, #tpu.memory_space<hbm>> -> memref<1x2x128xi32, #tpu.memory_space<hbm>>
      %dma_wait3A_176 = tpu.memref_squeeze %dma_wait3A_175 : memref<1x2x128xi32, #tpu.memory_space<hbm>> -> memref<2x128xi32, #tpu.memory_space<hbm>>
      tpu.wait_dma2 semaphore(%arg17 : memref<!tpu.dma_semaphore, #tpu.memory_space<semaphore_mem>>) src(%dma_wait3A_176 : memref<2x128xi32, #tpu.memory_space<hbm>>) dst(%arg8 : memref<2x128xi32, #tpu.memory_space<vmem>>)
      %dma_start3A_177 = arith.constant 0 : i32
      %dma_start3A_178 = arith.constant 0 : i32
      %dma_start3A_179 = tpu.memref_slice %arg8[%dma_start3A_177, %dma_start3A_178] : memref<2x128xi32, #tpu.memory_space<vmem>> -> memref<1x128xi32, #tpu.memory_space<vmem>>
      %dma_start3A_180 = tpu.memref_squeeze %dma_start3A_179 : memref<1x128xi32, #tpu.memory_space<vmem>> -> memref<128xi32, #tpu.memory_space<vmem>>
      %dma_start3A_181 = arith.constant 0 : i32
      %dma_start3A_182 = arith.constant 0 : i32
      %dma_start3A_183 = tpu.memref_slice %arg2[%dma_start3A_181, %dma_start3A_182] : memref<10240x128xf32, #tpu.memory_space<hbm>> -> memref<10240x128xf32, #tpu.memory_space<hbm>>
      tpu.enqueue_indirect_dma source(%dma_start3A_183 : memref<10240x128xf32, #tpu.memory_space<hbm>>) target(%arg10 : memref<128x128xf32, #tpu.memory_space<vmem>>) offsets(%dma_start3A_180 : memref<128xi32, #tpu.memory_space<vmem>>) semaphore(%arg13 : memref<!tpu.dma_semaphore, #tpu.memory_space<semaphore_mem>>)
      %dma_wait3A_184 = arith.constant 0 : i32
      %dma_wait3A_185 = arith.constant 0 : i32
      %dma_wait3A_186 = tpu.memref_slice %arg7[%dma_wait3A_184, %dma_wait3A_185] : memref<2x128xi32, #tpu.memory_space<vmem>> -> memref<1x128xi32, #tpu.memory_space<vmem>>
      %dma_wait3A_187 = tpu.memref_squeeze %dma_wait3A_186 : memref<1x128xi32, #tpu.memory_space<vmem>> -> memref<128xi32, #tpu.memory_space<vmem>>
      %dma_wait3A_188 = arith.constant 0 : i32
      %dma_wait3A_189 = arith.constant 0 : i32
      %dma_wait3A_190 = tpu.memref_slice %arg2[%dma_wait3A_188, %dma_wait3A_189] : memref<10240x128xf32, #tpu.memory_space<hbm>> -> memref<10240x128xf32, #tpu.memory_space<hbm>>
      tpu.wait_indirect_dma semaphore(%arg12 : memref<!tpu.dma_semaphore, #tpu.memory_space<semaphore_mem>>) src(%dma_wait3A_190 : memref<10240x128xf32, #tpu.memory_space<hbm>>) dst(%arg9 : memref<128x128xf32, #tpu.memory_space<vmem>>)
      %run_scoped3A_191 = arith.constant 1 : i32
      "tpu.region"() ({
        %run_scoped3A_207 = tpu.sem_alloc : memref<!tpu.dma_semaphore, #tpu.memory_space<semaphore_mem>>
        %dma_start3A_208 = arith.constant 0 : i32
        %dma_start3A_209 = tpu.memref_slice %arg7[%run_scoped3A_191, %dma_start3A_208] : memref<2x128xi32, #tpu.memory_space<vmem>> -> memref<1x128xi32, #tpu.memory_space<vmem>>
        %dma_start3A_210 = tpu.memref_squeeze %dma_start3A_209 : memref<1x128xi32, #tpu.memory_space<vmem>> -> memref<128xi32, #tpu.memory_space<vmem>>
        %dma_start3A_211 = arith.constant 0 : i32
        %dma_start3A_212 = arith.constant 0 : i32
        %dma_start3A_213 = tpu.memref_slice %arg11[%dma_start3A_211, %dma_start3A_212] : memref<10240x128xf32, #tpu.memory_space<vmem_shared>> -> memref<10240x128xf32, #tpu.memory_space<vmem_shared>>
        tpu.enqueue_indirect_dma source(%arg9 : memref<128x128xf32, #tpu.memory_space<vmem>>) target(%dma_start3A_213 : memref<10240x128xf32, #tpu.memory_space<vmem_shared>>) offsets(%dma_start3A_210 : memref<128xi32, #tpu.memory_space<vmem>>) semaphore(%run_scoped3A_207 : memref<!tpu.dma_semaphore, #tpu.memory_space<semaphore_mem>>) {add = true}
        %dma_wait3A_214 = arith.constant 0 : i32
        %dma_wait3A_215 = tpu.memref_slice %arg7[%run_scoped3A_191, %dma_wait3A_214] : memref<2x128xi32, #tpu.memory_space<vmem>> -> memref<1x128xi32, #tpu.memory_space<vmem>>
        %dma_wait3A_216 = tpu.memref_squeeze %dma_wait3A_215 : memref<1x128xi32, #tpu.memory_space<vmem>> -> memref<128xi32, #tpu.memory_space<vmem>>
        %dma_wait3A_217 = arith.constant 0 : i32
        %dma_wait3A_218 = arith.constant 0 : i32
        %dma_wait3A_219 = tpu.memref_slice %arg11[%dma_wait3A_217, %dma_wait3A_218] : memref<10240x128xf32, #tpu.memory_space<vmem_shared>> -> memref<10240x128xf32, #tpu.memory_space<vmem_shared>>
        tpu.wait_indirect_dma semaphore(%run_scoped3A_207 : memref<!tpu.dma_semaphore, #tpu.memory_space<semaphore_mem>>) src(%arg9 : memref<128x128xf32, #tpu.memory_space<vmem>>) dst(%dma_wait3A_219 : memref<10240x128xf32, #tpu.memory_space<vmem_shared>>)
        tpu.yield
      }) : () -> ()
      %convert_element_type3A_192 = arith.extui %lt3A : i1 to i32
      %cond3A_193 = arith.constant 0 : i32
      %cond3A_194 = arith.cmpi ne, %convert_element_type3A_192, %cond3A_193 : i32
      scf.if %cond3A_194 {
        %add3A_207 = arith.constant 6 : i32
        %add3A_208 = arith.addi %mul3A_108, %add3A_207 : i32
        %add3A_209 = arith.addi %select_n3A, %add3A_208 : i32
        %dma_start3A_210 = arith.constant 0 : i32
        %dma_start3A_211 = arith.constant 0 : i32
        %dma_start3A_212 = tpu.memref_slice %arg3[%add3A_209, %dma_start3A_210, %dma_start3A_211] : memref<2560x2x128xi32, #tpu.memory_space<hbm>> -> memref<1x2x128xi32, #tpu.memory_space<hbm>>
        %dma_start3A_213 = tpu.memref_squeeze %dma_start3A_212 : memref<1x2x128xi32, #tpu.memory_space<hbm>> -> memref<2x128xi32, #tpu.memory_space<hbm>>
        %dma_start3A_214 = arith.constant 0 : i32
        %dma_start3A_215 = arith.constant 0 : i32
        %dma_start3A_216 = tpu.memref_slice %arg3[%add3A_209, %dma_start3A_214, %dma_start3A_215] : memref<2560x2x128xi32, #tpu.memory_space<hbm>> -> memref<1x2x128xi32, #tpu.memory_space<hbm>>
        %dma_start3A_217 = tpu.memref_squeeze %dma_start3A_216 : memref<1x2x128xi32, #tpu.memory_space<hbm>> -> memref<2x128xi32, #tpu.memory_space<hbm>>
        tpu.enqueue_dma source(%dma_start3A_217 : memref<2x128xi32, #tpu.memory_space<hbm>>) target(%arg7 : memref<2x128xi32, #tpu.memory_space<vmem>>) target_semaphore(%arg16 : memref<!tpu.dma_semaphore, #tpu.memory_space<semaphore_mem>>)
        %add3A_218 = arith.constant 4 : i32
        %add3A_219 = arith.addi %mul3A_108, %add3A_218 : i32
        %add3A_220 = arith.addi %select_n3A, %add3A_219 : i32
        %dma_wait3A_221 = arith.constant 0 : i32
        %dma_wait3A_222 = arith.constant 0 : i32
        %dma_wait3A_223 = tpu.memref_slice %arg3[%add3A_220, %dma_wait3A_221, %dma_wait3A_222] : memref<2560x2x128xi32, #tpu.memory_space<hbm>> -> memref<1x2x128xi32, #tpu.memory_space<hbm>>
        %dma_wait3A_224 = tpu.memref_squeeze %dma_wait3A_223 : memref<1x2x128xi32, #tpu.memory_space<hbm>> -> memref<2x128xi32, #tpu.memory_space<hbm>>
        %dma_wait3A_225 = arith.constant 0 : i32
        %dma_wait3A_226 = arith.constant 0 : i32
        %dma_wait3A_227 = tpu.memref_slice %arg3[%add3A_220, %dma_wait3A_225, %dma_wait3A_226] : memref<2560x2x128xi32, #tpu.memory_space<hbm>> -> memref<1x2x128xi32, #tpu.memory_space<hbm>>
        %dma_wait3A_228 = tpu.memref_squeeze %dma_wait3A_227 : memref<1x2x128xi32, #tpu.memory_space<hbm>> -> memref<2x128xi32, #tpu.memory_space<hbm>>
        tpu.wait_dma2 semaphore(%arg14 : memref<!tpu.dma_semaphore, #tpu.memory_space<semaphore_mem>>) src(%dma_wait3A_228 : memref<2x128xi32, #tpu.memory_space<hbm>>) dst(%arg5 : memref<2x128xi32, #tpu.memory_space<vmem>>)
        %dma_start3A_229 = arith.constant 0 : i32
        %dma_start3A_230 = arith.constant 0 : i32
        %dma_start3A_231 = tpu.memref_slice %arg5[%dma_start3A_229, %dma_start3A_230] : memref<2x128xi32, #tpu.memory_space<vmem>> -> memref<1x128xi32, #tpu.memory_space<vmem>>
        %dma_start3A_232 = tpu.memref_squeeze %dma_start3A_231 : memref<1x128xi32, #tpu.memory_space<vmem>> -> memref<128xi32, #tpu.memory_space<vmem>>
        %dma_start3A_233 = arith.constant 0 : i32
        %dma_start3A_234 = arith.constant 0 : i32
        %dma_start3A_235 = tpu.memref_slice %arg2[%dma_start3A_233, %dma_start3A_234] : memref<10240x128xf32, #tpu.memory_space<hbm>> -> memref<10240x128xf32, #tpu.memory_space<hbm>>
        tpu.enqueue_indirect_dma source(%dma_start3A_235 : memref<10240x128xf32, #tpu.memory_space<hbm>>) target(%arg9 : memref<128x128xf32, #tpu.memory_space<vmem>>) offsets(%dma_start3A_232 : memref<128xi32, #tpu.memory_space<vmem>>) semaphore(%arg12 : memref<!tpu.dma_semaphore, #tpu.memory_space<semaphore_mem>>)
      } else {
      }
      %dma_wait3A_195 = arith.constant 0 : i32
      %dma_wait3A_196 = arith.constant 0 : i32
      %dma_wait3A_197 = tpu.memref_slice %arg8[%dma_wait3A_195, %dma_wait3A_196] : memref<2x128xi32, #tpu.memory_space<vmem>> -> memref<1x128xi32, #tpu.memory_space<vmem>>
      %dma_wait3A_198 = tpu.memref_squeeze %dma_wait3A_197 : memref<1x128xi32, #tpu.memory_space<vmem>> -> memref<128xi32, #tpu.memory_space<vmem>>
      %dma_wait3A_199 = arith.constant 0 : i32
      %dma_wait3A_200 = arith.constant 0 : i32
      %dma_wait3A_201 = tpu.memref_slice %arg2[%dma_wait3A_199, %dma_wait3A_200] : memref<10240x128xf32, #tpu.memory_space<hbm>> -> memref<10240x128xf32, #tpu.memory_space<hbm>>
      tpu.wait_indirect_dma semaphore(%arg13 : memref<!tpu.dma_semaphore, #tpu.memory_space<semaphore_mem>>) src(%dma_wait3A_201 : memref<10240x128xf32, #tpu.memory_space<hbm>>) dst(%arg10 : memref<128x128xf32, #tpu.memory_space<vmem>>)
      %run_scoped3A_202 = arith.constant 1 : i32
      "tpu.region"() ({
        %run_scoped3A_207 = tpu.sem_alloc : memref<!tpu.dma_semaphore, #tpu.memory_space<semaphore_mem>>
        %dma_start3A_208 = arith.constant 0 : i32
        %dma_start3A_209 = tpu.memref_slice %arg8[%run_scoped3A_202, %dma_start3A_208] : memref<2x128xi32, #tpu.memory_space<vmem>> -> memref<1x128xi32, #tpu.memory_space<vmem>>
        %dma_start3A_210 = tpu.memref_squeeze %dma_start3A_209 : memref<1x128xi32, #tpu.memory_space<vmem>> -> memref<128xi32, #tpu.memory_space<vmem>>
        %dma_start3A_211 = arith.constant 0 : i32
        %dma_start3A_212 = arith.constant 0 : i32
        %dma_start3A_213 = tpu.memref_slice %arg11[%dma_start3A_211, %dma_start3A_212] : memref<10240x128xf32, #tpu.memory_space<vmem_shared>> -> memref<10240x128xf32, #tpu.memory_space<vmem_shared>>
        tpu.enqueue_indirect_dma source(%arg10 : memref<128x128xf32, #tpu.memory_space<vmem>>) target(%dma_start3A_213 : memref<10240x128xf32, #tpu.memory_space<vmem_shared>>) offsets(%dma_start3A_210 : memref<128xi32, #tpu.memory_space<vmem>>) semaphore(%run_scoped3A_207 : memref<!tpu.dma_semaphore, #tpu.memory_space<semaphore_mem>>) {add = true}
        %dma_wait3A_214 = arith.constant 0 : i32
        %dma_wait3A_215 = tpu.memref_slice %arg8[%run_scoped3A_202, %dma_wait3A_214] : memref<2x128xi32, #tpu.memory_space<vmem>> -> memref<1x128xi32, #tpu.memory_space<vmem>>
        %dma_wait3A_216 = tpu.memref_squeeze %dma_wait3A_215 : memref<1x128xi32, #tpu.memory_space<vmem>> -> memref<128xi32, #tpu.memory_space<vmem>>
        %dma_wait3A_217 = arith.constant 0 : i32
        %dma_wait3A_218 = arith.constant 0 : i32
        %dma_wait3A_219 = tpu.memref_slice %arg11[%dma_wait3A_217, %dma_wait3A_218] : memref<10240x128xf32, #tpu.memory_space<vmem_shared>> -> memref<10240x128xf32, #tpu.memory_space<vmem_shared>>
        tpu.wait_indirect_dma semaphore(%run_scoped3A_207 : memref<!tpu.dma_semaphore, #tpu.memory_space<semaphore_mem>>) src(%arg10 : memref<128x128xf32, #tpu.memory_space<vmem>>) dst(%dma_wait3A_219 : memref<10240x128xf32, #tpu.memory_space<vmem_shared>>)
        tpu.yield
      }) : () -> ()
      %convert_element_type3A_203 = arith.extui %lt3A : i1 to i32
      %cond3A_204 = arith.constant 0 : i32
      %cond3A_205 = arith.cmpi ne, %convert_element_type3A_203, %cond3A_204 : i32
      scf.if %cond3A_205 {
        %add3A_207 = arith.constant 7 : i32
        %add3A_208 = arith.addi %mul3A_108, %add3A_207 : i32
        %add3A_209 = arith.addi %select_n3A, %add3A_208 : i32
        %dma_start3A_210 = arith.constant 0 : i32
        %dma_start3A_211 = arith.constant 0 : i32
        %dma_start3A_212 = tpu.memref_slice %arg3[%add3A_209, %dma_start3A_210, %dma_start3A_211] : memref<2560x2x128xi32, #tpu.memory_space<hbm>> -> memref<1x2x128xi32, #tpu.memory_space<hbm>>
        %dma_start3A_213 = tpu.memref_squeeze %dma_start3A_212 : memref<1x2x128xi32, #tpu.memory_space<hbm>> -> memref<2x128xi32, #tpu.memory_space<hbm>>
        %dma_start3A_214 = arith.constant 0 : i32
        %dma_start3A_215 = arith.constant 0 : i32
        %dma_start3A_216 = tpu.memref_slice %arg3[%add3A_209, %dma_start3A_214, %dma_start3A_215] : memref<2560x2x128xi32, #tpu.memory_space<hbm>> -> memref<1x2x128xi32, #tpu.memory_space<hbm>>
        %dma_start3A_217 = tpu.memref_squeeze %dma_start3A_216 : memref<1x2x128xi32, #tpu.memory_space<hbm>> -> memref<2x128xi32, #tpu.memory_space<hbm>>
        tpu.enqueue_dma source(%dma_start3A_217 : memref<2x128xi32, #tpu.memory_space<hbm>>) target(%arg8 : memref<2x128xi32, #tpu.memory_space<vmem>>) target_semaphore(%arg17 : memref<!tpu.dma_semaphore, #tpu.memory_space<semaphore_mem>>)
      } else {
      }
      %while3A_206 = arith.constant 0 : i32
      scf.yield %while3A_206 : i32
    }
    %barrier3A_102 = arith.constant 0 : index
    tpu.barrier barrier_id(%barrier3A_102)
    %mul3A_103 = arith.constant 640 : i32
    %mul3A_104 = arith.muli %arg1, %mul3A_103 : i32
    "tpu.region"() ({
      %run_scoped3A = tpu.sem_alloc : memref<!tpu.dma_semaphore, #tpu.memory_space<semaphore_mem>>
      %dma_start3A_105 = arith.constant 0 : i32
      %dma_start3A_106 = arith.constant 0 : i32
      %dma_start3A_107 = tpu.memref_slice %arg4[%arg0, %arg1, %dma_start3A_105, %dma_start3A_106] : memref<2x16x640x128xf32, #tpu.memory_space<hbm>> -> memref<1x1x640x128xf32, #tpu.memory_space<hbm>>
      %dma_start3A_108 = tpu.memref_squeeze %dma_start3A_107 : memref<1x1x640x128xf32, #tpu.memory_space<hbm>> -> memref<640x128xf32, #tpu.memory_space<hbm>>
      %dma_start3A_109 = arith.constant 0 : i32
      %dma_start3A_110 = tpu.memref_slice %arg11[%mul3A_104, %dma_start3A_109] : memref<10240x128xf32, #tpu.memory_space<vmem_shared>> -> memref<640x128xf32, #tpu.memory_space<vmem_shared>>
      tpu.enqueue_dma source(%dma_start3A_110 : memref<640x128xf32, #tpu.memory_space<vmem_shared>>) target(%dma_start3A_108 : memref<640x128xf32, #tpu.memory_space<hbm>>) target_semaphore(%run_scoped3A : memref<!tpu.dma_semaphore, #tpu.memory_space<semaphore_mem>>)
      %dma_wait3A_111 = arith.constant 0 : i32
      %dma_wait3A_112 = arith.constant 0 : i32
      %dma_wait3A_113 = tpu.memref_slice %arg4[%arg0, %arg1, %dma_wait3A_111, %dma_wait3A_112] : memref<2x16x640x128xf32, #tpu.memory_space<hbm>> -> memref<1x1x640x128xf32, #tpu.memory_space<hbm>>
      %dma_wait3A_114 = tpu.memref_squeeze %dma_wait3A_113 : memref<1x1x640x128xf32, #tpu.memory_space<hbm>> -> memref<640x128xf32, #tpu.memory_space<hbm>>
      %dma_wait3A_115 = arith.constant 0 : i32
      %dma_wait3A_116 = tpu.memref_slice %arg11[%mul3A_104, %dma_wait3A_115] : memref<10240x128xf32, #tpu.memory_space<vmem_shared>> -> memref<640x128xf32, #tpu.memory_space<vmem_shared>>
      tpu.wait_dma2 semaphore(%run_scoped3A : memref<!tpu.dma_semaphore, #tpu.memory_space<semaphore_mem>>) src(%dma_wait3A_116 : memref<640x128xf32, #tpu.memory_space<vmem_shared>>) dst(%dma_wait3A_114 : memref<640x128xf32, #tpu.memory_space<hbm>>)
      tpu.yield
    }) : () -> ()
    return
  }
}

module attributes {stable_mosaic.version = 14 : i64} {
  func.func @_hprime_body(%arg0: i32, %arg1: memref<2x1280xf32, #tpu.memory_space<vmem>>, %arg2: memref<1280x128xf32, #tpu.memory_space<vmem>>, %arg3: memref<128x128xf32, #tpu.memory_space<vmem>>, %arg4: memref<1280x128xf32, #tpu.memory_space<vmem>>, %arg5: memref<1280x1xf32, #tpu.memory_space<vmem>>) attributes {dimension_semantics = [#tpu.dimension_semantics<arbitrary>], iteration_bounds = array<i64: 8>, scalar_prefetch = 0 : i64, scratch_operands = 0 : i64, tpu.core_type = #tpu.core_type<tc>, window_params = [{transform_indices = @transform_0, window_bounds = array<i64: 2, 1280>}, {transform_indices = @transform_1, window_bounds = array<i64: 1280, 128>}, {pipeline_mode = #tpu.pipeline_mode<synchronous>, transform_indices = @transform_2, window_bounds = array<i64: 128, 128>}, {transform_indices = @transform_3, window_bounds = array<i64: 1280, 128>}, {transform_indices = @transform_4, window_bounds = array<i64: 1280, 1>}]} {
    %get3A = arith.constant 0 : index
    %get3A_0 = arith.constant 0 : index
    %get3A_1 = vector.load %arg1[%get3A, %get3A_0] : memref<2x1280xf32, #tpu.memory_space<vmem>>, vector<1x1280xf32>
    %get3A_2 = vector.shape_cast %get3A_1 : vector<1x1280xf32> to vector<1280xf32>
    %get3A_3 = arith.constant 1 : index
    %get3A_4 = arith.constant 0 : index
    %get3A_5 = vector.load %arg1[%get3A_3, %get3A_4] : memref<2x1280xf32, #tpu.memory_space<vmem>>, vector<1x1280xf32>
    %get3A_6 = vector.shape_cast %get3A_5 : vector<1x1280xf32> to vector<1280xf32>
    %add3A = arith.addf %get3A_2, %get3A_6 : vector<1280xf32>
    %add3A_7 = arith.constant 1.000000e+00 : f32
    %add3A_8 = vector.broadcast %add3A_7 : f32 to vector<1280xf32>
    %add3A_9 = arith.addf %add3A, %add3A_8 : vector<1280xf32>
    %rsqrt3A = math.rsqrt %add3A_9 : vector<1280xf32>
    %broadcast_in_dim3A = vector.shape_cast %rsqrt3A : vector<1280xf32> to vector<1280x1xf32>
    %swap3A = arith.constant 0 : index
    %swap3A_10 = arith.constant 0 : index
    %swap3A_11 = vector.load %arg5[%swap3A, %swap3A_10] : memref<1280x1xf32, #tpu.memory_space<vmem>>, vector<1280x1xf32>
    tpu.vector_store %arg5[%swap3A, %swap3A_10], %broadcast_in_dim3A {strides = array<i32>} : memref<1280x1xf32, #tpu.memory_space<vmem>>, vector<1280x1xf32>,
    %get3A_12 = arith.constant 0 : index
    %get3A_13 = arith.constant 0 : index
    %get3A_14 = vector.load %arg2[%get3A_12, %get3A_13] : memref<1280x128xf32, #tpu.memory_space<vmem>>, vector<1280x128xf32>
    %get3A_15 = arith.constant 0 : index
    %get3A_16 = arith.constant 0 : index
    %get3A_17 = vector.load %arg3[%get3A_15, %get3A_16] : memref<128x128xf32, #tpu.memory_space<vmem>>, vector<128x128xf32>
    %dot_general3A = arith.constant dense<0.000000e+00> : vector<1280x128xf32>
    %dot_general3A_18 = tpu.matmul %get3A_14, %get3A_17, %dot_general3A {dimension_numbers = #tpu.dot_dimension_numbers<[1], [0], [0], [1], [0, 0, 1, 1], [], []>, transpose_lhs_hint = false} : vector<1280x128xf32>, vector<128x128xf32>, vector<1280x128xf32> -> vector<1280x128xf32>
    %broadcast_in_dim3A_19 = vector.shape_cast %rsqrt3A : vector<1280xf32> to vector<1280x1xf32>
    %mul3A = vector.broadcast %broadcast_in_dim3A_19 : vector<1280x1xf32> to vector<1280x128xf32>
    %mul3A_20 = arith.mulf %dot_general3A_18, %mul3A : vector<1280x128xf32>
    %swap3A_21 = arith.constant 0 : index
    %swap3A_22 = arith.constant 0 : index
    %swap3A_23 = vector.load %arg4[%swap3A_21, %swap3A_22] : memref<1280x128xf32, #tpu.memory_space<vmem>>, vector<1280x128xf32>
    tpu.vector_store %arg4[%swap3A_21, %swap3A_22], %mul3A_20 {strides = array<i32>} : memref<1280x128xf32, #tpu.memory_space<vmem>>, vector<1280x128xf32>,
    return
  }
  func.func @transform_0(%arg0: i32) -> (i32, i32) {
    %c0_i32 = arith.constant 0 : i32
    %c0_i32_0 = arith.constant 0 : i32
    return %c0_i32, %arg0 : i32, i32
  }
  func.func @transform_1(%arg0: i32) -> (i32, i32) {
    %c0_i32 = arith.constant 0 : i32
    %c0_i32_0 = arith.constant 0 : i32
    return %arg0, %c0_i32 : i32, i32
  }
  func.func @transform_2(%arg0: i32) -> (i32, i32) {
    %c0_i32 = arith.constant 0 : i32
    %c0_i32_0 = arith.constant 0 : i32
    %c0_i32_1 = arith.constant 0 : i32
    return %c0_i32, %c0_i32_0 : i32, i32
  }
  func.func @transform_3(%arg0: i32) -> (i32, i32) {
    %c0_i32 = arith.constant 0 : i32
    %c0_i32_0 = arith.constant 0 : i32
    return %arg0, %c0_i32 : i32, i32
  }
  func.func @transform_4(%arg0: i32) -> (i32, i32) {
    %c0_i32 = arith.constant 0 : i32
    %c0_i32_0 = arith.constant 0 : i32
    return %arg0, %c0_i32 : i32, i32
  }
}

module attributes {stable_mosaic.version = 14 : i64} {
  func.func @_final_body(%arg0: i32, %arg1: memref<2x1280x128xf32, #tpu.memory_space<vmem>>, %arg2: memref<1280x128xf32, #tpu.memory_space<vmem>>, %arg3: memref<1280x1xf32, #tpu.memory_space<vmem>>, %arg4: memref<1x128xf32, #tpu.memory_space<vmem>>, %arg5: memref<128x128xf32, #tpu.memory_space<vmem>>, %arg6: memref<1x128xf32, #tpu.memory_space<vmem>>, %arg7: memref<1280x128xf32, #tpu.memory_space<vmem>>) attributes {dimension_semantics = [#tpu.dimension_semantics<arbitrary>], iteration_bounds = array<i64: 8>, scalar_prefetch = 0 : i64, scratch_operands = 0 : i64, tpu.core_type = #tpu.core_type<tc>, window_params = [{transform_indices = @transform_0, window_bounds = array<i64: 2, 1280, 128>}, {transform_indices = @transform_1, window_bounds = array<i64: 1280, 128>}, {transform_indices = @transform_2, window_bounds = array<i64: 1280, 1>}, {pipeline_mode = #tpu.pipeline_mode<synchronous>, transform_indices = @transform_3, window_bounds = array<i64: 1, 128>}, {pipeline_mode = #tpu.pipeline_mode<synchronous>, transform_indices = @transform_4, window_bounds = array<i64: 128, 128>}, {pipeline_mode = #tpu.pipeline_mode<synchronous>, transform_indices = @transform_5, window_bounds = array<i64: 1, 128>}, {transform_indices = @transform_6, window_bounds = array<i64: 1280, 128>}]} {
    %get3A = arith.constant 0 : index
    %get3A_0 = arith.constant 0 : index
    %get3A_1 = arith.constant 0 : index
    %get3A_2 = vector.load %arg1[%get3A, %get3A_0, %get3A_1] : memref<2x1280x128xf32, #tpu.memory_space<vmem>>, vector<1x1280x128xf32>
    %get3A_3 = vector.shape_cast %get3A_2 : vector<1x1280x128xf32> to vector<1280x128xf32>
    %get3A_4 = arith.constant 1 : index
    %get3A_5 = arith.constant 0 : index
    %get3A_6 = arith.constant 0 : index
    %get3A_7 = vector.load %arg1[%get3A_4, %get3A_5, %get3A_6] : memref<2x1280x128xf32, #tpu.memory_space<vmem>>, vector<1x1280x128xf32>
    %get3A_8 = vector.shape_cast %get3A_7 : vector<1x1280x128xf32> to vector<1280x128xf32>
    %add3A = arith.addf %get3A_3, %get3A_8 : vector<1280x128xf32>
    %get3A_9 = arith.constant 0 : index
    %get3A_10 = arith.constant 0 : index
    %get3A_11 = vector.load %arg2[%get3A_9, %get3A_10] : memref<1280x128xf32, #tpu.memory_space<vmem>>, vector<1280x128xf32>
    %add3A_12 = arith.addf %add3A, %get3A_11 : vector<1280x128xf32>
    %get3A_13 = arith.constant 0 : index
    %get3A_14 = arith.constant 0 : index
    %get3A_15 = vector.load %arg3[%get3A_13, %get3A_14] : memref<1280x1xf32, #tpu.memory_space<vmem>>, vector<1280x1xf32>
    %mul3A = vector.broadcast %get3A_15 : vector<1280x1xf32> to vector<1280x128xf32>
    %mul3A_16 = arith.mulf %add3A_12, %mul3A : vector<1280x128xf32>
    %get3A_17 = arith.constant 0 : index
    %get3A_18 = arith.constant 0 : index
    %get3A_19 = vector.load %arg4[%get3A_17, %get3A_18] : memref<1x128xf32, #tpu.memory_space<vmem>>, vector<1x128xf32>
    %add3A_20 = vector.broadcast %get3A_19 : vector<1x128xf32> to vector<1280x128xf32>
    %add3A_21 = arith.addf %mul3A_16, %add3A_20 : vector<1280x128xf32>
    %max3A = arith.constant 0.000000e+00 : f32
    %max3A_22 = vector.broadcast %max3A : f32 to vector<1280x128xf32>
    %max3A_23 = arith.maximumf %add3A_21, %max3A_22 : vector<1280x128xf32>
    %get3A_24 = arith.constant 0 : index
    %get3A_25 = arith.constant 0 : index
    %get3A_26 = vector.load %arg5[%get3A_24, %get3A_25] : memref<128x128xf32, #tpu.memory_space<vmem>>, vector<128x128xf32>
    %dot_general3A = arith.constant dense<0.000000e+00> : vector<1280x128xf32>
    %dot_general3A_27 = tpu.matmul %max3A_23, %get3A_26, %dot_general3A {dimension_numbers = #tpu.dot_dimension_numbers<[1], [0], [0], [1], [0, 0, 1, 1], [], []>, transpose_lhs_hint = false} : vector<1280x128xf32>, vector<128x128xf32>, vector<1280x128xf32> -> vector<1280x128xf32>
    %get3A_28 = arith.constant 0 : index
    %get3A_29 = arith.constant 0 : index
    %get3A_30 = vector.load %arg6[%get3A_28, %get3A_29] : memref<1x128xf32, #tpu.memory_space<vmem>>, vector<1x128xf32>
    %add3A_31 = vector.broadcast %get3A_30 : vector<1x128xf32> to vector<1280x128xf32>
    %add3A_32 = arith.addf %dot_general3A_27, %add3A_31 : vector<1280x128xf32>
    %swap3A = arith.constant 0 : index
    %swap3A_33 = arith.constant 0 : index
    %swap3A_34 = vector.load %arg7[%swap3A, %swap3A_33] : memref<1280x128xf32, #tpu.memory_space<vmem>>, vector<1280x128xf32>
    tpu.vector_store %arg7[%swap3A, %swap3A_33], %add3A_32 {strides = array<i32>} : memref<1280x128xf32, #tpu.memory_space<vmem>>, vector<1280x128xf32>,
    return
  }
  func.func @transform_0(%arg0: i32) -> (i32, i32, i32) {
    %c0_i32 = arith.constant 0 : i32
    %c0_i32_0 = arith.constant 0 : i32
    %c0_i32_1 = arith.constant 0 : i32
    return %c0_i32, %arg0, %c0_i32_0 : i32, i32, i32
  }
  func.func @transform_1(%arg0: i32) -> (i32, i32) {
    %c0_i32 = arith.constant 0 : i32
    %c0_i32_0 = arith.constant 0 : i32
    return %arg0, %c0_i32 : i32, i32
  }
  func.func @transform_2(%arg0: i32) -> (i32, i32) {
    %c0_i32 = arith.constant 0 : i32
    %c0_i32_0 = arith.constant 0 : i32
    return %arg0, %c0_i32 : i32, i32
  }
  func.func @transform_3(%arg0: i32) -> (i32, i32) {
    %c0_i32 = arith.constant 0 : i32
    %c0_i32_0 = arith.constant 0 : i32
    %c0_i32_1 = arith.constant 0 : i32
    return %c0_i32, %c0_i32_0 : i32, i32
  }
  func.func @transform_4(%arg0: i32) -> (i32, i32) {
    %c0_i32 = arith.constant 0 : i32
    %c0_i32_0 = arith.constant 0 : i32
    %c0_i32_1 = arith.constant 0 : i32
    return %c0_i32, %c0_i32_0 : i32, i32
  }
  func.func @transform_5(%arg0: i32) -> (i32, i32) {
    %c0_i32 = arith.constant 0 : i32
    %c0_i32_0 = arith.constant 0 : i32
    %c0_i32_1 = arith.constant 0 : i32
    return %c0_i32, %c0_i32_0 : i32, i32
  }
  func.func @transform_6(%arg0: i32) -> (i32, i32) {
    %c0_i32 = arith.constant 0 : i32
    %c0_i32_0 = arith.constant 0 : i32
    return %arg0, %c0_i32 : i32, i32
  }
}

</mosaic_0001>

<sc_bundles>
// kernel: kernel.6.cloned.1.call-start
scs
__scs_entry_jumppad:
0x0: {  	(pc) =	sbr.rel $0x88, $3  }
0x1: {  	(tag) =	ssettag $0x0;
	lr =	simm.s32 $0x1  }
0x2: {  	[smem:$0x3F9B] =	sst lr;
	_ =	strace $0xD0000000  }
0x3: {  	_ = 	snop  }
0x4: {  	_ = 	snop  }
0x5: {  	_ = 	snop  }
0x6: {  	_ = 	snop  }
0x7: {  	_ = 	snop  }
__scs_overlays_trampoline_lowered:
0x8: {  	[smem:$0x3FAA] =	sst s0  }
0x9: {  	[smem:$0x3FAB] =	sst s1  }
0xa: {  	[smem:$0x3FAC] =	sst s2  }
0xb: {  	[smem:$0x3FAD] =	sst s3  }
0xc: {  	[smem:$0x3FAE] =	sst s4  }
0xd: {  	[smem:$0x3FAF] =	sst s5  }
0xe: {  	[smem:$0x3FB0] =	sst s6  }
0xf: {  	[smem:$0x3FB1] =	sst s7  }
0x10: {  	[smem:$0x3FB2] =	sst s8  }
0x11: {  	[smem:$0x3FB3] =	sst s9;
	s0 =	simm.s32 @!p0 $0x0  }
0x12: {  	s1 =	sld [smem:$0x3F99];
	s0 =	simm.s32 @p0 $0x1  }
0x13: {  	[smem:$0x3FB4] =	sst s0;
	s0 =	simm.s32 @!p1 $0x0  }
0x14: {  	s2 =	sld [smem:$0x3F98];
	s0 =	simm.s32 @p1 $0x1  }
0x15: {  	[smem:$0x3FB5] =	sst s0;
	s0 =	simm.s32 @!p2 $0x0  }
0x16: {  	s3 =	sld [smem:$0x3FDB];
	s0 =	simm.s32 @p2 $0x1  }
0x17: {  	s4 =	simm.s32 $0x1BF5;
	[smem:$0x3FB7] =	sst s0  }
0x18: {  	s0 =	sld [smem:$0x3F9A];
	_ =	swait.ge [sflag:s4], $0x0  }
0x19: {  	s7 =	sld [smem:$0x3F9B]  }
0x1a: {  	s8 =	sadd.s32 $0xFFFFE003, lr  }
0x1b: {  	s9 =	sadd.s32 $0xFFFFFEF7, lr;
	s5 =	simm.s32 $0xFFFFFFFF;
	p2 =	slt.u32 s8, $0xFFFFF086  }
0x1c: {  	p1 =	slt.u32 s9, $0xF7A;
	s5 =	simm.s32 @!p2 $0x0  }
0x1d: {  	s5 =	simm.s32 @p1 $0x1;
	p0 =	seq.s32 s7, s2  }
0x1e: {  	s7 =	smul.u32 @!p0 $0xF7A, s2;
	p2 =	seq.s32 @!p0 s5, $0x0  }
0x1f: {  	s9 =	smul.u32 $0xF7A, s1;
	s8 =	simm.s32 @!p0 $0x1BF5;
	p2 =	por !p2, p0  }
0x20: {  	[sflag:s8] =	ssyncset.s32 @!p0 $0xFFFFF086;
	s6 =	sadd.s32 @!p0 s3, s7;
	s7 =	simm.s32 @!p0 $0x108  }
0x21: {  	s3 =	sadd.s32 s3, s9;
	s6 =	sadd.s32 @!p0 $0x88, s6;
	s7 =	simm.s32 @p2 $0x1082  }
0x22: {  	[simem:s7], [sflag:s8] =	dma.local @!p0 [hbm:s6], $0xF7A  }
0x23: {  	s9 =	sor.u32 $0xD0000000, s2;
	s6 =	simm.s32 $0x108;
	_ =	swait.ge @!p0 [sflag:s8], $0x0  }
0x24: {  	s3 =	sadd.s32 $0x88, s3;
	s6 =	simm.s32 @!p1 $0x1082;
	[sflag:s4] =	ssyncset.s32 $0xFFFFF086  }
0x25: {  	[simem:s6], [sflag:s4] =	dma.local [hbm:s3], $0xF7A  }
0x26: {  	[smem:$0x3F9B] =	sst s1;
	(tag) =	ssettag s2;
	_ =	strace s9  }
0x27: {  	s1 =	sld [smem:$0x3FAB]  }
0x28: {  	s2 =	sld [smem:$0x3FAC]  }
0x29: {  	s4 =	sld [smem:$0x3FAE]  }
0x2a: {  	p0 =	seq.s32 s5, $0x0;
	s5 =	sld [smem:$0x3FAF]  }
0x2b: {  	s6 =	sld [smem:$0x3FB0]  }
0x2c: {  	s7 =	sld [smem:$0x3FB1]  }
0x2d: {  	s3 =	simm.s32 $0x108;
	s8 =	sld [smem:$0x3FB2]  }
0x2e: {  	s3 =	simm.s32 @!p0 $0x1082;
	s9 =	sld [smem:$0x3FB3]  }
0x2f: {  	lr =	sadd.s32 s0, s3;
	s0 =	sld [smem:$0x3FAA]  }
0x30: {  	s3 =	sld [smem:$0x3FAD]  }
0x31: {  	[smem:$0x3FB6] =	sst s10  }
0x32: {  	s10 =	sld [smem:$0x3FB4];
	_ =	sdelay $0x3  }
0x33: {  	p0 =	seq.s32 s10, $0x1;
	s10 =	sld [smem:$0x3FB6];
	_ =	sdelay $0x3  }
0x34: {  	[smem:$0x3FB6] =	sst s10  }
0x35: {  	s10 =	sld [smem:$0x3FB5];
	_ =	sdelay $0x3  }
0x36: {  	p1 =	seq.s32 s10, $0x1;
	s10 =	sld [smem:$0x3FB6];
	_ =	sdelay $0x3  }
0x37: {  	[smem:$0x3FB6] =	sst s10  }
0x38: {  	s10 =	sld [smem:$0x3FB7]  }
0x39: {  	_ = 	snop;
	(pc) =	sbr.ind lr, $3  }
0x3a: {  	_ = 	snop  }
0x3b: {  	_ = 	snop  }
0x3c: {  	p2 =	seq.s32 s10, $0x1;
	s10 =	sld [smem:$0x3FB6]  }
0x3d: {  	_ =	shalt  }
0x3e: {  	_ =	shalt  }
0x3f: {  	_ =	shalt  }
0x40: {  	_ =	shalt  }
0x41: {  	_ =	shalt  }
0x42: {  	_ =	shalt  }
0x43: {  	_ =	shalt  }
0x44: {  	_ =	shalt  }
0x45: {  	_ =	shalt  }
0x46: {  	_ =	shalt  }
0x47: {  	_ =	shalt  }
0x48: {  	_ =	shalt  }
0x49: {  	_ =	shalt  }
0x4a: {  	_ =	shalt  }
0x4b: {  	_ =	shalt  }
0x4c: {  	_ =	shalt  }
0x4d: {  	_ =	shalt  }
0x4e: {  	_ =	shalt  }
0x4f: {  	_ =	shalt  }
0x50: {  	_ =	shalt  }
0x51: {  	_ =	shalt  }
0x52: {  	_ =	shalt  }
0x53: {  	_ =	shalt  }
0x54: {  	_ =	shalt  }
0x55: {  	_ =	shalt  }
0x56: {  	_ =	shalt  }
0x57: {  	_ =	shalt  }
0x58: {  	_ =	shalt  }
0x59: {  	_ =	shalt  }
0x5a: {  	_ =	shalt  }
0x5b: {  	_ =	shalt  }
0x5c: {  	_ =	shalt  }
0x5d: {  	_ =	shalt  }
0x5e: {  	_ =	shalt  }
0x5f: {  	_ =	shalt  }
0x60: {  	_ =	shalt  }
0x61: {  	_ =	shalt  }
0x62: {  	_ =	shalt  }
0x63: {  	_ =	shalt  }
0x64: {  	_ =	shalt  }
0x65: {  	_ =	shalt  }
0x66: {  	_ =	shalt  }
0x67: {  	_ =	shalt  }
0x68: {  	_ =	shalt  }
0x69: {  	_ =	shalt  }
0x6a: {  	_ =	shalt  }
0x6b: {  	_ =	shalt  }
0x6c: {  	_ =	shalt  }
0x6d: {  	_ =	shalt  }
0x6e: {  	_ =	shalt  }
0x6f: {  	_ =	shalt  }
0x70: {  	_ =	shalt  }
0x71: {  	_ =	shalt  }
0x72: {  	_ =	shalt  }
0x73: {  	_ =	shalt  }
0x74: {  	_ =	shalt  }
0x75: {  	_ =	shalt  }
0x76: {  	_ =	shalt  }
0x77: {  	_ =	shalt  }
0x78: {  	_ =	shalt  }
0x79: {  	_ =	shalt  }
0x7a: {  	_ =	shalt  }
0x7b: {  	_ =	shalt  }
0x7c: {  	_ =	shalt  }
0x7d: {  	_ =	shalt  }
0x7e: {  	_ =	shalt  }
0x7f: {  	_ =	shalt  }
0x80: {  	_ =	shalt  }
0x81: {  	_ =	shalt  }
0x82: {  	_ =	shalt  }
0x83: {  	_ =	shalt  }
0x84: {  	_ =	shalt  }
0x85: {  	_ =	shalt  }
0x86: {  	_ =	shalt  }
0x87: {  	_ =	shalt  }
.Lfunc_end0:
.L_simem_size_0:
called_computation_lowered:
.L_overlay_start_0:
0x88: {  	s2 =	sld [smem:$0x3FD9]  }
0x89: {  	s3 =	sld [smem:$0x3FFE];
	_ =	sdelay $0x1  }
0x8a: {  	s1 =	srdreg.scid  }
0x8b: {  	s0 =	sand.u32 $0x1, s1  }
0x8c: {  	s17 =	sshll.u32 s0, $0xA;
	s2 =	sadd.s32 s3, s2  }
0x8d: {  	s2 =	sadd.s32 s2, s17  }
0x8e: {  	[smem:$0x3FC2] =	sst s2  }
0x8f: {  	_ = 	snop  }
0x90: {  	s2 =	sld [smem:$0x3FD0];
	(tm) =	ssettm $0x1  }
0x91: {  	s18 =	sld [smem:$0x3FFB];
	_ =	sdelay $0x3  }
0x92: {  	_ =	strace s18  }
0x93: {  	s3 =	sld [smem:$0x3FFC];
	_ =	sdelay $0x3  }
0x94: {  	_ =	strace s3  }
0x95: {  	s3 =	sld [smem:$0x3FFD];
	_ =	sdelay $0x3  }
0x96: {  	_ =	strace s3  }
0x97: {  	_ =	strace $0x8FFFFFFF  }
0x98: {  	s19 =	sld [smem:$0x3FDB];
	_ =	sdelay $0x1  }
0x99: {  	s4 =	simm.s32 $_scs_section_size  }
0x9a: {  	s5 =	simm.s32 $_size__tile_overlayer_lowered;
	s6 =	simm.s32 $_tile_overlayer_lowered  }
0x9b: {  	s22 =	simm.s32 $0x1BFF;
	s21 =	sshll.u32 s6, $0x1;
	s3 =	sadd.s32 s4, s19  }
0x9c: {  	s7 =	simm.s32 $0x0;
	s20 =	sshll.u32 s5, $0x1;
	s5 =	sadd.s32 s21, s3  }
0x9d: {  	[timem:s7], [sflag:s22] =	dma.local [hbm:s5], s20  }
0x9e: {  	_ =	swait.ge [sflag:s22], s20  }
0x9f: {  	s4 =	ssub.s32 $0x0, s20;
	[sflag:s22] =	ssyncset.done $0x0  }
0xa0: {  	[sflag:s22] =	ssyncadd.s32 s4;
	_ =	sdelay $0x1  }
0xa1: {  	s23 =	simm.s32 $0x1B8B  }
0xa2: {  	_ =	swait.ge [sflag:s23], $0x1  }
0xa3: {  	[sflag:s23] =	ssyncset.done $0x0  }
0xa4: {  	s25 =	simm.s32 $0x1B8E;
	s24 =	sld [smem:$0x3FFE];
	[sflag:s23] =	ssyncadd.s32 $0xFFFFFFFF  }
0xa5: {  	s26 =	simm.s32 $execute0_lowered;
	[smem:$0x3FD2] =	sst s25  }
0xa6: {  	s5 =	sshll.u32 s26, $0x1;
	_ =	strace $0x80000046;
	[dreg:$0x1] =	wrdreg $0xFFFFFFFF  }
0xa7: {  	s28 =	simm.s32 $_size_execute0_lowered;
	s3 =	sadd.s32 s3, s5;
	[dreg:$0x0] =	wrdreg $0x0  }
0xa8: {  	s5 =	sshll.u32 s28, $0x1;
	[dreg:$0x2] =	wrdreg s3  }
0xa9: {  	[dreg:$0x3] =	wrdreg s5  }
0xaa: {  	[dreg:$0x4] =	wrdreg $0xC0  }
0xab: {  	_ =	task [dreg:s7], $0x5FFFF  }
0xac: {  	[dreg:$0x1] =	wrdreg $0xFFFFFFFF  }
0xad: {  	[dreg:$0x0] =	wrdreg $0x60  }
0xae: {  	[dreg:$0x2] =	wrdreg s24  }
0xaf: {  	[dreg:$0x3] =	wrdreg s2  }
0xb0: {  	[dreg:$0x4] =	wrdreg $0x53000  }
0xb1: {  	[dreg:$0x5] =	wrdreg $0x9  }
0xb2: {  	_ =	task.clear_ibuf [dreg:s7], $0x6FFFF;
	_ =	strace $0x90000046  }
0xb3: {  	s29 =	simm.s32 $0x9;
	_ =	strace $0x80000048  }
0xb4: {  	_ =	swait.ge [sflag:s29], $0x1  }
0xb5: {  	[sflag:s29] =	ssyncadd.s32 $0xFFFFFFFF  }
0xb6: {  	_ =	strace $0x90000048  }
0xb7: {  	_ =	sfence  }
0xb8: {  	s30 =	sld [smem:$0x0];
	_ =	sdelay $0x2  }
0xb9: {  	s31 =	sshll.u32 s1, $0xD;
	s1 =	sshrl.u32 s1, $0x2  }
0xba: {  	s3 =	sand.u32 $0x4000, s31;
	s1 =	sadd.s32 s1, s30  }
0xbb: {  	s0 =	sor.u32 s3, s0;
	s1 =	sshll.u32 s1, $0x11  }
0xbc: {  	s0 =	sor.u32 s1, s0  }
0xbd: {  	s0 =	sadd.s32 $0x8F2B, s0  }
0xbe: {  	[sflag:s0] =	ssyncadd.remote.s32 $0x1  }
0xbf: {  	_ =	sfence.sel $0xFFFF  }
0xc0: {  	[dreg:$0x0] =	wrdreg $0xFFFFFFFF;
	(pc) =	sbr.abs _section_cstart, $3  }
0xc1: {  	[dreg:$0x1] =	wrdreg $0xFFFFFFFF  }
0xc2: {  	_ =	task.clear_ibuf [dreg:s7], $0x2FFFF;
	_ =	strace $0x9FFFFFFF  }
0xc3: {  	(tm) =	ssettm $0x7FFFFFFF  }
tec
execute0_lowered:
.L_overlay_start_1:
0x0: {  	(tag) =	ssettag $0x1  }
0x1: {  	s4 =	rddreg [dreg:$0x0]  }
0x2: {  	s6 =	rddreg [dreg:$0x1]  }
0x3: {  	s0 =	srdreg.scid;
	s2 =	rddreg [dreg:$0x2];
	s3 =	simm.s32 $0x0  }
0x4: {  	s12 =	simm.s32 $0x1;
	s15 =	simm.s32 $0x10;
	s16 =	simm.s32 $0x0  }
0x5: {  	s5 =	sand.u32 $0x1, s0;
	s0 =	stileid.u32;
	[smem:$0x7FF] =	sst s3  }
0x6: {  	s1 =	sshll.u32 s5, $0x4;
	s8 =	smul.u32 $0x2800, s5;
	s9 =	sshrl.u32 s0, $0x3  }
0x7: {  	s5 =	ssub.s32 $0x2, s5;
	s28 =	smul.u32 $0xA00, s0;
	s10 =	sshll.u32 s0, $0x7  }
0x8: {  	s13 =	sshll.u32 s0, $0x6;
	s7 =	sor.u32 s0, s1;
	s1 =	rddreg [dreg:$0x3]  }
0x9: {  	_ =	strace $0x80000047;
	s26 =	smul.u32 $0x1400, s9;
	s11 =	sshrl.u32 s5, $0x1  }
0xa: {  	s29 =	sand.u32 $0x380, s10;
	s9 =	simm.s32 $0x5080;
	s7 =	smul.u32 $0xA00, s7  }
0xb: {  	s10 =	simm.s32 $0x80;
	s13 =	sor.u32 $0x1C02, s13;
	s30 =	ssub.s32 s5, s11  }
0xc: {  	s31 =	sshrl.u32 s28, $0x2;
	s4 =	sadd.s32 s7, s4;
	s7 =	sadd.s32 s8, s26  }
0xd: {  	s11 =	simm.s32 $0x5000;
	s5 =	sadd.s32 s31, s2;
	s7 =	sor.u32 s29, s7  }
0xe: {  	s8 =	simm.s32 $0x2;
	s14 =	sshrl.u32 s5, $0x3;
	s7 =	sshrl.u32 s7, $0x3  }
0xf: {  	v0 =	vimm.f32 $0.0e+00;
	v1 =	vimm.f32 $1.000000000e+00;
	s4 =	sadd.s32 $0x1600, s4;
	s6 =	sadd.s32 s6, s7;
	s7 =	smax.u32 s30, $0x1  }
.LBB2_1:
0x10: {  	[tilespmem:$0x5080] =	vst v0  }
0x11: {  	[tilespmem:$0x5090] =	vst v0  }
0x12: {  	[tilespmem:$0x50A0] =	vst v0  }
0x13: {  	[tilespmem:$0x50B0] =	vst v0  }
0x14: {  	[tilespmem:$0x50C0] =	vst v0  }
0x15: {  	[tilespmem:$0x50D0] =	vst v0  }
0x16: {  	[tilespmem:$0x50E0] =	vst v0  }
0x17: {  	[tilespmem:$0x50F0] =	vst v0  }
0x18: {  	[tilespmem:$0x5100] =	vst v0  }
0x19: {  	[tilespmem:$0x5110] =	vst v0  }
0x1a: {  	[tilespmem:$0x5120] =	vst v0  }
0x1b: {  	[tilespmem:$0x5130] =	vst v0  }
0x1c: {  	[tilespmem:$0x5140] =	vst v0  }
0x1d: {  	[tilespmem:$0x5150] =	vst v0  }
0x1e: {  	[tilespmem:$0x5160] =	vst v0  }
0x1f: {  	[tilespmem:$0x5170] =	vst v0  }
0x20: {  	[tilespmem:$0x5180] =	vst v0  }
0x21: {  	[tilespmem:$0x5190] =	vst v0  }
0x22: {  	[tilespmem:$0x51A0] =	vst v0  }
0x23: {  	[tilespmem:$0x51B0] =	vst v0  }
0x24: {  	[tilespmem:$0x51C0] =	vst v0  }
0x25: {  	[tilespmem:$0x51D0] =	vst v0  }
0x26: {  	[tilespmem:$0x51E0] =	vst v0  }
0x27: {  	[tilespmem:$0x51F0] =	vst v0  }
0x28: {  	[tilespmem:$0x5200] =	vst v0  }
0x29: {  	[tilespmem:$0x5210] =	vst v0  }
0x2a: {  	[tilespmem:$0x5220] =	vst v0  }
0x2b: {  	[tilespmem:$0x5230] =	vst v0  }
0x2c: {  	[tilespmem:$0x5240] =	vst v0  }
0x2d: {  	[tilespmem:$0x5250] =	vst v0  }
0x2e: {  	[tilespmem:$0x5260] =	vst v0  }
0x2f: {  	[tilespmem:$0x5270] =	vst v0  }
0x30: {  	[tilespmem:$0x5280] =	vst v0  }
0x31: {  	[tilespmem:$0x5290] =	vst v0  }
0x32: {  	[tilespmem:$0x52A0] =	vst v0  }
0x33: {  	[tilespmem:$0x52B0] =	vst v0  }
0x34: {  	[tilespmem:$0x52C0] =	vst v0  }
0x35: {  	[tilespmem:$0x52D0] =	vst v0  }
0x36: {  	[tilespmem:$0x52E0] =	vst v0  }
0x37: {  	[tilespmem:$0x52F0] =	vst v0  }
0x38: {  	[tilespmem:$0x5000] =	vst v1  }
0x39: {  	[tilespmem:$0x5010] =	vst v1  }
0x3a: {  	[tilespmem:$0x5020] =	vst v1  }
0x3b: {  	[tilespmem:$0x5030] =	vst v1  }
0x3c: {  	[tilespmem:$0x5040] =	vst v1  }
0x3d: {  	[tilespmem:$0x5050] =	vst v1  }
0x3e: {  	[tilespmem:$0x5060] =	vst v1  }
0x3f: {  	[tilespmem:$0x5070] =	vst v1  }
0x40: {  	[tilespmem:s3], [sflag:$0x2] =	stream.linear.gather [hbm4b:s4+s3], $0x5000, $0x38;
	[tilespmem:$0x5580] =	vst v63  }
0x41: {  	_ =	swait.ge [sflag:s8], $0x5000  }
0x42: {  	[sflag:s8] =	ssyncset.done $0x0  }
0x43: {  	[sflag:s8] =	ssyncadd.s32 $0xFFFFB000  }
0x44: {  	[spmem:s5] =	stream.linear.scatter [tilespmem:s9], [sflag:$0x2], $0x280, $0x38;
	[tilespmem:$0x5580] =	vst v63  }
0x45: {  	_ =	swait.ge [sflag:s8], $0x280  }
0x46: {  	[sflag:s8] =	ssyncset.done $0x0  }
0x47: {  	[sflag:s8] =	ssyncadd.s32 $0xFFFFFD80  }
0x48: {  	s17 =	simm.s32 $0x80;
	[bflag:$0x0] =	sbarrier.arrive $0xFFFF  }
0x49: {  	[spmem:s2] =	stream.indirect.scatter.add.f32 [tilespmem:s11], [sflag:$0x1], $0x1, s17, s10, $0xb8;
	[tilespmem:$0x5580] =	vst v63  }
0x4a: {  	s24 =	simm.s32 $0x180  }
0x4b: {  	[spmem:s2] =	stream.indirect.scatter.add.f32 [tilespmem:s11], [sflag:$0x1], $0x1, s24, s10, $0xb8;
	[tilespmem:$0x5580] =	vst v63  }
0x4c: {  	s25 =	simm.s32 $0x280  }
0x4d: {  	[spmem:s2] =	stream.indirect.scatter.add.f32 [tilespmem:s11], [sflag:$0x1], $0x1, s25, s10, $0xb8;
	[tilespmem:$0x5580] =	vst v63  }
0x4e: {  	s26 =	simm.s32 $0x380  }
0x4f: {  	[spmem:s2] =	stream.indirect.scatter.add.f32 [tilespmem:s11], [sflag:$0x1], $0x1, s26, s10, $0xb8;
	[tilespmem:$0x5580] =	vst v63  }
0x50: {  	s28 =	simm.s32 $0x480  }
0x51: {  	[spmem:s2] =	stream.indirect.scatter.add.f32 [tilespmem:s11], [sflag:$0x1], $0x1, s28, s10, $0xb8;
	[tilespmem:$0x5580] =	vst v63  }
0x52: {  	s29 =	simm.s32 $0x580  }
0x53: {  	[spmem:s2] =	stream.indirect.scatter.add.f32 [tilespmem:s11], [sflag:$0x1], $0x1, s29, s10, $0xb8;
	[tilespmem:$0x5580] =	vst v63  }
0x54: {  	s30 =	simm.s32 $0x680  }
0x55: {  	[spmem:s2] =	stream.indirect.scatter.add.f32 [tilespmem:s11], [sflag:$0x1], $0x1, s30, s10, $0xb8;
	[tilespmem:$0x5580] =	vst v63  }
0x56: {  	s31 =	simm.s32 $0x780  }
0x57: {  	[spmem:s2] =	stream.indirect.scatter.add.f32 [tilespmem:s11], [sflag:$0x1], $0x1, s31, s10, $0xb8;
	[tilespmem:$0x5580] =	vst v63  }
0x58: {  	_ =	swait.ge [sflag:s12], $0x80  }
0x59: {  	[sflag:s12] =	ssyncset.done $0x0  }
0x5a: {  	[sflag:s12] =	ssyncadd.s32 $0xFFFFFF80  }
0x5b: {  	_ =	swait.ge [sflag:s12], $0x80  }
0x5c: {  	[sflag:s12] =	ssyncset.done $0x0  }
0x5d: {  	[sflag:s12] =	ssyncadd.s32 $0xFFFFFF80  }
0x5e: {  	_ =	swait.ge [sflag:s12], $0x80  }
0x5f: {  	[sflag:s12] =	ssyncset.done $0x0  }
0x60: {  	[sflag:s12] =	ssyncadd.s32 $0xFFFFFF80  }
0x61: {  	_ =	swait.ge [sflag:s12], $0x80  }
0x62: {  	[sflag:s12] =	ssyncset.done $0x0  }
0x63: {  	[sflag:s12] =	ssyncadd.s32 $0xFFFFFF80  }
0x64: {  	_ =	swait.ge [sflag:s12], $0x80  }
0x65: {  	[sflag:s12] =	ssyncset.done $0x0  }
0x66: {  	[sflag:s12] =	ssyncadd.s32 $0xFFFFFF80  }
0x67: {  	_ =	swait.ge [sflag:s12], $0x80  }
0x68: {  	[sflag:s12] =	ssyncset.done $0x0  }
0x69: {  	[sflag:s12] =	ssyncadd.s32 $0xFFFFFF80  }
0x6a: {  	_ =	swait.ge [sflag:s12], $0x80  }
0x6b: {  	[sflag:s12] =	ssyncset.done $0x0  }
0x6c: {  	[sflag:s12] =	ssyncadd.s32 $0xFFFFFF80  }
0x6d: {  	_ =	swait.ge [sflag:s12], $0x80  }
0x6e: {  	s20 =	simm.s32 $0x4000;
	s19 =	simm.s32 $0x800;
	[sflag:s12] =	ssyncset.done $0x0  }
.LBB2_2:
0x6f: {  	s21 =	sadd.s32 $0x80, s19  }
0x70: {  	[sflag:s12] =	ssyncadd.s32 $0xFFFFFF80;
	s18 =	smov.u32 s20;
	s17 =	sadd.s32 $0x2000, s20  }
0x71: {  	[spmem:s2] =	stream.indirect.scatter.add.f32 [tilespmem:s11], [sflag:$0x1], $0x1, s21, s10, $0xb8;
	[tilespmem:$0x5580] =	vst v63  }
0x72: {  	p0 =	sne.s32 s20, $0x12000;
	s20 =	sadd.s32 $0x180, s19  }
0x73: {  	[spmem:s2] =	stream.indirect.scatter.add.f32 [tilespmem:s11], [sflag:$0x1], $0x1, s20, s10, $0xb8;
	[tilespmem:$0x5580] =	vst v63  }
0x74: {  	s20 =	sadd.s32 $0x280, s19  }
0x75: {  	[spmem:s2] =	stream.indirect.scatter.add.f32 [tilespmem:s11], [sflag:$0x1], $0x1, s20, s10, $0xb8;
	[tilespmem:$0x5580] =	vst v63  }
0x76: {  	s20 =	sadd.s32 $0x380, s19  }
0x77: {  	[spmem:s2] =	stream.indirect.scatter.add.f32 [tilespmem:s11], [sflag:$0x1], $0x1, s20, s10, $0xb8;
	[tilespmem:$0x5580] =	vst v63  }
0x78: {  	s20 =	sadd.s32 $0x480, s19  }
0x79: {  	[spmem:s2] =	stream.indirect.scatter.add.f32 [tilespmem:s11], [sflag:$0x1], $0x1, s20, s10, $0xb8;
	[tilespmem:$0x5580] =	vst v63  }
0x7a: {  	s20 =	sadd.s32 $0x580, s19  }
0x7b: {  	[spmem:s2] =	stream.indirect.scatter.add.f32 [tilespmem:s11], [sflag:$0x1], $0x1, s20, s10, $0xb8;
	[tilespmem:$0x5580] =	vst v63  }
0x7c: {  	s20 =	sadd.s32 $0x680, s19  }
0x7d: {  	[spmem:s2] =	stream.indirect.scatter.add.f32 [tilespmem:s11], [sflag:$0x1], $0x1, s20, s10, $0xb8;
	[tilespmem:$0x5580] =	vst v63  }
0x7e: {  	s19 =	sadd.s32 $0x780, s19  }
0x7f: {  	[spmem:s2] =	stream.indirect.scatter.add.f32 [tilespmem:s11], [sflag:$0x1], $0x1, s19, s10, $0xb8;
	[tilespmem:$0x5580] =	vst v63  }
0x80: {  	_ =	swait.ge [sflag:s12], $0x80  }
0x81: {  	[sflag:s12] =	ssyncset.done $0x0  }
0x82: {  	[sflag:s12] =	ssyncadd.s32 $0xFFFFFF80  }
0x83: {  	_ =	swait.ge [sflag:s12], $0x80  }
0x84: {  	[sflag:s12] =	ssyncset.done $0x0  }
0x85: {  	[sflag:s12] =	ssyncadd.s32 $0xFFFFFF80  }
0x86: {  	_ =	swait.ge [sflag:s12], $0x80  }
0x87: {  	[sflag:s12] =	ssyncset.done $0x0  }
0x88: {  	[sflag:s12] =	ssyncadd.s32 $0xFFFFFF80  }
0x89: {  	_ =	swait.ge [sflag:s12], $0x80  }
0x8a: {  	[sflag:s12] =	ssyncset.done $0x0  }
0x8b: {  	[sflag:s12] =	ssyncadd.s32 $0xFFFFFF80  }
0x8c: {  	_ =	swait.ge [sflag:s12], $0x80  }
0x8d: {  	[sflag:s12] =	ssyncset.done $0x0  }
0x8e: {  	[sflag:s12] =	ssyncadd.s32 $0xFFFFFF80  }
0x8f: {  	_ =	swait.ge [sflag:s12], $0x80  }
0x90: {  	[sflag:s12] =	ssyncset.done $0x0  }
0x91: {  	[sflag:s12] =	ssyncadd.s32 $0xFFFFFF80  }
.Ltmp0:
0x92: {  	_ =	swait.ge [sflag:s12], $0x80;
	(pc) =	sbr.rel @p0 .LBB2_2-.Ltmp0, $4  }
0x93: {  	[sflag:s12] =	ssyncset.done $0x0  }
0x94: {  	[sflag:s12] =	ssyncadd.s32 $0xFFFFFF80  }
0x95: {  	_ =	swait.ge [sflag:s12], $0x80  }
0x96: {  	s20 =	smov.u32 s17;
	s19 =	sshra.s32 s18, $0x2;
	[sflag:s12] =	ssyncset.done $0x0  }
0x97: {  	s17 =	sadd.s32 $0x80, s19;
	[sflag:s12] =	ssyncadd.s32 $0xFFFFFF80  }
0x98: {  	[spmem:s2] =	stream.indirect.scatter.add.f32 [tilespmem:s11], [sflag:$0x1], $0x1, s17, s10, $0xb8;
	[tilespmem:$0x5580] =	vst v63  }
0x99: {  	s24 =	sadd.s32 $0x180, s19  }
0x9a: {  	[spmem:s2] =	stream.indirect.scatter.add.f32 [tilespmem:s11], [sflag:$0x1], $0x1, s24, s10, $0xb8;
	[tilespmem:$0x5580] =	vst v63  }
0x9b: {  	s25 =	sadd.s32 $0x280, s19  }
0x9c: {  	[spmem:s2] =	stream.indirect.scatter.add.f32 [tilespmem:s11], [sflag:$0x1], $0x1, s25, s10, $0xb8;
	[tilespmem:$0x5580] =	vst v63  }
0x9d: {  	s26 =	sadd.s32 $0x380, s19  }
0x9e: {  	[spmem:s2] =	stream.indirect.scatter.add.f32 [tilespmem:s11], [sflag:$0x1], $0x1, s26, s10, $0xb8;
	[tilespmem:$0x5580] =	vst v63  }
0x9f: {  	s28 =	sadd.s32 $0x480, s19  }
0xa0: {  	[spmem:s2] =	stream.indirect.scatter.add.f32 [tilespmem:s11], [sflag:$0x1], $0x1, s28, s10, $0xb8;
	[tilespmem:$0x5580] =	vst v63  }
0xa1: {  	s29 =	sadd.s32 $0x580, s19  }
0xa2: {  	[spmem:s2] =	stream.indirect.scatter.add.f32 [tilespmem:s11], [sflag:$0x1], $0x1, s29, s10, $0xb8;
	[tilespmem:$0x5580] =	vst v63  }
0xa3: {  	s30 =	sadd.s32 $0x680, s19  }
0xa4: {  	[spmem:s2] =	stream.indirect.scatter.add.f32 [tilespmem:s11], [sflag:$0x1], $0x1, s30, s10, $0xb8;
	[tilespmem:$0x5580] =	vst v63  }
0xa5: {  	s31 =	sadd.s32 $0x780, s19  }
0xa6: {  	[spmem:s2] =	stream.indirect.scatter.add.f32 [tilespmem:s11], [sflag:$0x1], $0x1, s31, s10, $0xb8;
	[tilespmem:$0x5580] =	vst v63  }
0xa7: {  	_ =	swait.ge [sflag:s12], $0x80  }
0xa8: {  	[sflag:s12] =	ssyncset.done $0x0  }
0xa9: {  	[sflag:s12] =	ssyncadd.s32 $0xFFFFFF80  }
0xaa: {  	_ =	swait.ge [sflag:s12], $0x80  }
0xab: {  	[sflag:s12] =	ssyncset.done $0x0  }
0xac: {  	[sflag:s12] =	ssyncadd.s32 $0xFFFFFF80  }
0xad: {  	_ =	swait.ge [sflag:s12], $0x80  }
0xae: {  	[sflag:s12] =	ssyncset.done $0x0  }
0xaf: {  	[sflag:s12] =	ssyncadd.s32 $0xFFFFFF80  }
0xb0: {  	_ =	swait.ge [sflag:s12], $0x80  }
0xb1: {  	[sflag:s12] =	ssyncset.done $0x0  }
0xb2: {  	[sflag:s12] =	ssyncadd.s32 $0xFFFFFF80  }
0xb3: {  	_ =	swait.ge [sflag:s12], $0x80  }
0xb4: {  	[sflag:s12] =	ssyncset.done $0x0  }
0xb5: {  	[sflag:s12] =	ssyncadd.s32 $0xFFFFFF80  }
0xb6: {  	_ =	swait.ge [sflag:s12], $0x80  }
0xb7: {  	[sflag:s12] =	ssyncset.done $0x0  }
0xb8: {  	[sflag:s12] =	ssyncadd.s32 $0xFFFFFF80  }
0xb9: {  	_ =	swait.ge [sflag:s12], $0x80  }
0xba: {  	[sflag:s12] =	ssyncset.done $0x0  }
0xbb: {  	[sflag:s12] =	ssyncadd.s32 $0xFFFFFF80  }
0xbc: {  	_ =	swait.ge [sflag:s12], $0x80  }
0xbd: {  	s16 =	sadd.s32 $0x1, s16;
	[sflag:s12] =	ssyncset.done $0x0  }
0xbe: {  	p0 =	sne.s32 s16, s7;
	[sflag:s12] =	ssyncadd.s32 $0xFFFFFF80  }
.Ltmp1:
0xbf: {  	[bflag:$0x0] =	sbarrier.arrive $0xFFFF;
	(pc) =	sbr.rel @p0 .LBB2_1-.Ltmp1, $4  }
0xc0: {  	[hbm:s6@s10], [sflag:s13] =	dma.strided [spmem:s14@s15], $0x50, s12, $0x10   }
0xc1: {  	_ =	swait.ge [sflag:s8], $0x50  }
0xc2: {  	[sflag:s8] =	ssyncset.done $0x0  }
0xc3: {  	[sflag:s8] =	ssyncadd.s32 $0xFFFFFFB0  }
0xc4: {  	_ =	sfence.sel $0x180000  }
0xc5: {  	[bflag:$0x0] =	sbarrier.arrive $0xFFFF  }
0xc6: {  	p0 =	sne.s32 s0, $0x0;
	_ =	strace $0x90000047  }
0xc7: {  	s0 =	sadd.s32 @!p0 $0x100000, s1;
	[bflag:$0x2] =	sbarrier.arrive $0xFFFF  }
0xc8: {  	[sflag:s0] =	ssyncadd.tile.s32 @!p0 $0x1;
	_ =	shalt  }
.Lfunc_end2:
_tile_overlayer_lowered:
.L_overlay_start_2:
0xc9: {  	(tag) =	ssettag $0x2  }
0xca: {  	s0 =	rddreg [dreg:$0x0];
	s2 =	stileid.u32  }
0xcb: {  	s1 =	rddreg [dreg:$0x1];
	p0 =	sne.s32 s2, $0x0  }
0xcc: {  	s3 =	rddreg [dreg:$0x2];
	[bflag:$0x3] =	sbarrier.arrive $0xFFFF;
	s2 =	simm.s32 @!p0 $0x1C02  }
0xcd: {  	[timem:s3], [sflag:s2] =	dma.local @!p0 [hbm:s0], s1  }
0xce: {  	s0 =	simm.s32 @!p0 $0x2  }
0xcf: {  	_ =	swait.ge @!p0 [sflag:s0], s1  }
0xd0: {  	s1 =	ssub.s32 @!p0 $0x0, s1;
	[sflag:s0] =	ssyncset.done @!p0 $0x0  }
0xd1: {  	[sflag:s0] =	ssyncadd.s32 @!p0 s1  }
0xd2: {  	[bflag:$0x3] =	sbarrier.arrive $0xFFFF  }
0xd3: {  	_ =	shalt  }

// kernel: kernel.9.cloned.1.call-start
scs
__scs_entry_jumppad:
0x0: {  	(pc) =	sbr.rel $0x88, $3  }
0x1: {  	(tag) =	ssettag $0x0;
	lr =	simm.s32 $0x1  }
0x2: {  	[smem:$0x3F9B] =	sst lr;
	_ =	strace $0xD0000000  }
0x3: {  	_ = 	snop  }
0x4: {  	_ = 	snop  }
0x5: {  	_ = 	snop  }
0x6: {  	_ = 	snop  }
0x7: {  	_ = 	snop  }
__scs_overlays_trampoline_lowered:
0x8: {  	[smem:$0x3FAA] =	sst s0  }
0x9: {  	[smem:$0x3FAB] =	sst s1  }
0xa: {  	[smem:$0x3FAC] =	sst s2  }
0xb: {  	[smem:$0x3FAD] =	sst s3  }
0xc: {  	[smem:$0x3FAE] =	sst s4  }
0xd: {  	[smem:$0x3FAF] =	sst s5  }
0xe: {  	[smem:$0x3FB0] =	sst s6  }
0xf: {  	[smem:$0x3FB1] =	sst s7  }
0x10: {  	[smem:$0x3FB2] =	sst s8  }
0x11: {  	[smem:$0x3FB3] =	sst s9;
	s0 =	simm.s32 @!p0 $0x0  }
0x12: {  	s1 =	sld [smem:$0x3F99];
	s0 =	simm.s32 @p0 $0x1  }
0x13: {  	[smem:$0x3FB4] =	sst s0;
	s0 =	simm.s32 @!p1 $0x0  }
0x14: {  	s2 =	sld [smem:$0x3F98];
	s0 =	simm.s32 @p1 $0x1  }
0x15: {  	[smem:$0x3FB5] =	sst s0;
	s0 =	simm.s32 @!p2 $0x0  }
0x16: {  	s3 =	sld [smem:$0x3FDB];
	s0 =	simm.s32 @p2 $0x1  }
0x17: {  	s4 =	simm.s32 $0x1BF5;
	[smem:$0x3FB7] =	sst s0  }
0x18: {  	s0 =	sld [smem:$0x3F9A];
	_ =	swait.ge [sflag:s4], $0x0  }
0x19: {  	s7 =	sld [smem:$0x3F9B]  }
0x1a: {  	s8 =	sadd.s32 $0xFFFFE003, lr  }
0x1b: {  	s9 =	sadd.s32 $0xFFFFFEF7, lr;
	s5 =	simm.s32 $0xFFFFFFFF;
	p2 =	slt.u32 s8, $0xFFFFF086  }
0x1c: {  	p1 =	slt.u32 s9, $0xF7A;
	s5 =	simm.s32 @!p2 $0x0  }
0x1d: {  	s5 =	simm.s32 @p1 $0x1;
	p0 =	seq.s32 s7, s2  }
0x1e: {  	s7 =	smul.u32 @!p0 $0xF7A, s2;
	p2 =	seq.s32 @!p0 s5, $0x0  }
0x1f: {  	s9 =	smul.u32 $0xF7A, s1;
	s8 =	simm.s32 @!p0 $0x1BF5;
	p2 =	por !p2, p0  }
0x20: {  	[sflag:s8] =	ssyncset.s32 @!p0 $0xFFFFF086;
	s6 =	sadd.s32 @!p0 s3, s7;
	s7 =	simm.s32 @!p0 $0x108  }
0x21: {  	s3 =	sadd.s32 s3, s9;
	s6 =	sadd.s32 @!p0 $0x88, s6;
	s7 =	simm.s32 @p2 $0x1082  }
0x22: {  	[simem:s7], [sflag:s8] =	dma.local @!p0 [hbm:s6], $0xF7A  }
0x23: {  	s9 =	sor.u32 $0xD0000000, s2;
	s6 =	simm.s32 $0x108;
	_ =	swait.ge @!p0 [sflag:s8], $0x0  }
0x24: {  	s3 =	sadd.s32 $0x88, s3;
	s6 =	simm.s32 @!p1 $0x1082;
	[sflag:s4] =	ssyncset.s32 $0xFFFFF086  }
0x25: {  	[simem:s6], [sflag:s4] =	dma.local [hbm:s3], $0xF7A  }
0x26: {  	[smem:$0x3F9B] =	sst s1;
	(tag) =	ssettag s2;
	_ =	strace s9  }
0x27: {  	s1 =	sld [smem:$0x3FAB]  }
0x28: {  	s2 =	sld [smem:$0x3FAC]  }
0x29: {  	s4 =	sld [smem:$0x3FAE]  }
0x2a: {  	p0 =	seq.s32 s5, $0x0;
	s5 =	sld [smem:$0x3FAF]  }
0x2b: {  	s6 =	sld [smem:$0x3FB0]  }
0x2c: {  	s7 =	sld [smem:$0x3FB1]  }
0x2d: {  	s3 =	simm.s32 $0x108;
	s8 =	sld [smem:$0x3FB2]  }
0x2e: {  	s3 =	simm.s32 @!p0 $0x1082;
	s9 =	sld [smem:$0x3FB3]  }
0x2f: {  	lr =	sadd.s32 s0, s3;
	s0 =	sld [smem:$0x3FAA]  }
0x30: {  	s3 =	sld [smem:$0x3FAD]  }
0x31: {  	[smem:$0x3FB6] =	sst s10  }
0x32: {  	s10 =	sld [smem:$0x3FB4];
	_ =	sdelay $0x3  }
0x33: {  	p0 =	seq.s32 s10, $0x1;
	s10 =	sld [smem:$0x3FB6];
	_ =	sdelay $0x3  }
0x34: {  	[smem:$0x3FB6] =	sst s10  }
0x35: {  	s10 =	sld [smem:$0x3FB5];
	_ =	sdelay $0x3  }
0x36: {  	p1 =	seq.s32 s10, $0x1;
	s10 =	sld [smem:$0x3FB6];
	_ =	sdelay $0x3  }
0x37: {  	[smem:$0x3FB6] =	sst s10  }
0x38: {  	s10 =	sld [smem:$0x3FB7]  }
0x39: {  	_ = 	snop;
	(pc) =	sbr.ind lr, $3  }
0x3a: {  	_ = 	snop  }
0x3b: {  	_ = 	snop  }
0x3c: {  	p2 =	seq.s32 s10, $0x1;
	s10 =	sld [smem:$0x3FB6]  }
0x3d: {  	_ =	shalt  }
0x3e: {  	_ =	shalt  }
0x3f: {  	_ =	shalt  }
0x40: {  	_ =	shalt  }
0x41: {  	_ =	shalt  }
0x42: {  	_ =	shalt  }
0x43: {  	_ =	shalt  }
0x44: {  	_ =	shalt  }
0x45: {  	_ =	shalt  }
0x46: {  	_ =	shalt  }
0x47: {  	_ =	shalt  }
0x48: {  	_ =	shalt  }
0x49: {  	_ =	shalt  }
0x4a: {  	_ =	shalt  }
0x4b: {  	_ =	shalt  }
0x4c: {  	_ =	shalt  }
0x4d: {  	_ =	shalt  }
0x4e: {  	_ =	shalt  }
0x4f: {  	_ =	shalt  }
0x50: {  	_ =	shalt  }
0x51: {  	_ =	shalt  }
0x52: {  	_ =	shalt  }
0x53: {  	_ =	shalt  }
0x54: {  	_ =	shalt  }
0x55: {  	_ =	shalt  }
0x56: {  	_ =	shalt  }
0x57: {  	_ =	shalt  }
0x58: {  	_ =	shalt  }
0x59: {  	_ =	shalt  }
0x5a: {  	_ =	shalt  }
0x5b: {  	_ =	shalt  }
0x5c: {  	_ =	shalt  }
0x5d: {  	_ =	shalt  }
0x5e: {  	_ =	shalt  }
0x5f: {  	_ =	shalt  }
0x60: {  	_ =	shalt  }
0x61: {  	_ =	shalt  }
0x62: {  	_ =	shalt  }
0x63: {  	_ =	shalt  }
0x64: {  	_ =	shalt  }
0x65: {  	_ =	shalt  }
0x66: {  	_ =	shalt  }
0x67: {  	_ =	shalt  }
0x68: {  	_ =	shalt  }
0x69: {  	_ =	shalt  }
0x6a: {  	_ =	shalt  }
0x6b: {  	_ =	shalt  }
0x6c: {  	_ =	shalt  }
0x6d: {  	_ =	shalt  }
0x6e: {  	_ =	shalt  }
0x6f: {  	_ =	shalt  }
0x70: {  	_ =	shalt  }
0x71: {  	_ =	shalt  }
0x72: {  	_ =	shalt  }
0x73: {  	_ =	shalt  }
0x74: {  	_ =	shalt  }
0x75: {  	_ =	shalt  }
0x76: {  	_ =	shalt  }
0x77: {  	_ =	shalt  }
0x78: {  	_ =	shalt  }
0x79: {  	_ =	shalt  }
0x7a: {  	_ =	shalt  }
0x7b: {  	_ =	shalt  }
0x7c: {  	_ =	shalt  }
0x7d: {  	_ =	shalt  }
0x7e: {  	_ =	shalt  }
0x7f: {  	_ =	shalt  }
0x80: {  	_ =	shalt  }
0x81: {  	_ =	shalt  }
0x82: {  	_ =	shalt  }
0x83: {  	_ =	shalt  }
0x84: {  	_ =	shalt  }
0x85: {  	_ =	shalt  }
0x86: {  	_ =	shalt  }
0x87: {  	_ =	shalt  }
.Lfunc_end0:
.L_simem_size_0:
called_computation.1_lowered:
.L_overlay_start_0:
0x88: {  	s2 =	sld [smem:$0x3FD9]  }
0x89: {  	s3 =	sld [smem:$0x3FFE];
	_ =	sdelay $0x1  }
0x8a: {  	s1 =	srdreg.scid  }
0x8b: {  	s0 =	sand.u32 $0x1, s1  }
0x8c: {  	s16 =	sshll.u32 s0, $0xA;
	s2 =	sadd.s32 s3, s2  }
0x8d: {  	s2 =	sadd.s32 s2, s16  }
0x8e: {  	[smem:$0x3FC2] =	sst s2  }
0x8f: {  	_ = 	snop  }
0x90: {  	(tm) =	ssettm $0x1  }
0x91: {  	s17 =	sld [smem:$0x3FFB];
	_ =	sdelay $0x3  }
0x92: {  	_ =	strace s17  }
0x93: {  	s2 =	sld [smem:$0x3FFC];
	_ =	sdelay $0x3  }
0x94: {  	_ =	strace s2  }
0x95: {  	s2 =	sld [smem:$0x3FFD];
	_ =	sdelay $0x3  }
0x96: {  	_ =	strace s2  }
0x97: {  	_ =	strace $0x8FFFFFFF  }
0x98: {  	s18 =	sld [smem:$0x3FDB];
	_ =	sdelay $0x1  }
0x99: {  	s19 =	simm.s32 $_scs_section_size  }
0x9a: {  	s4 =	simm.s32 $_size__tile_overlayer_lowered;
	s5 =	simm.s32 $_tile_overlayer_lowered  }
0x9b: {  	s22 =	simm.s32 $0x1BFF;
	s21 =	sshll.u32 s5, $0x1;
	s2 =	sadd.s32 s19, s18  }
0x9c: {  	s6 =	simm.s32 $0x0;
	s20 =	sshll.u32 s4, $0x1;
	s4 =	sadd.s32 s21, s2  }
0x9d: {  	[timem:s6], [sflag:s22] =	dma.local [hbm:s4], s20  }
0x9e: {  	_ =	swait.ge [sflag:s22], s20  }
0x9f: {  	s3 =	ssub.s32 $0x0, s20;
	[sflag:s22] =	ssyncset.done $0x0  }
0xa0: {  	[sflag:s22] =	ssyncadd.s32 s3;
	_ =	sdelay $0x1  }
0xa1: {  	s23 =	simm.s32 $0x1B8B  }
0xa2: {  	_ =	swait.ge [sflag:s23], $0x1  }
0xa3: {  	[sflag:s23] =	ssyncset.done $0x0  }
0xa4: {  	s25 =	simm.s32 $0x1B8E;
	s24 =	sld [smem:$0x3FFE];
	[sflag:s23] =	ssyncadd.s32 $0xFFFFFFFF  }
0xa5: {  	s26 =	simm.s32 $execute0_lowered;
	[smem:$0x3FD2] =	sst s25  }
0xa6: {  	s4 =	sshll.u32 s26, $0x1;
	_ =	strace $0x80000049;
	[dreg:$0x1] =	wrdreg $0xFFFFFFFF  }
0xa7: {  	s28 =	simm.s32 $_size_execute0_lowered;
	s2 =	sadd.s32 s2, s4;
	[dreg:$0x0] =	wrdreg $0x0  }
0xa8: {  	s4 =	sshll.u32 s28, $0x1;
	[dreg:$0x2] =	wrdreg s2  }
0xa9: {  	[dreg:$0x3] =	wrdreg s4  }
0xaa: {  	[dreg:$0x4] =	wrdreg $0xC0  }
0xab: {  	_ =	task [dreg:s6], $0x5FFFF  }
0xac: {  	[dreg:$0x1] =	wrdreg $0xFFFFFFFF  }
0xad: {  	[dreg:$0x0] =	wrdreg $0x60  }
0xae: {  	[dreg:$0x2] =	wrdreg s24  }
0xaf: {  	[dreg:$0x3] =	wrdreg $0x84000  }
0xb0: {  	[dreg:$0x4] =	wrdreg $0x9  }
0xb1: {  	_ =	task.clear_ibuf [dreg:s6], $0x5FFFF;
	_ =	strace $0x90000049  }
0xb2: {  	s29 =	simm.s32 $0x9;
	_ =	strace $0x8000004B  }
0xb3: {  	_ =	swait.ge [sflag:s29], $0x1  }
0xb4: {  	[sflag:s29] =	ssyncadd.s32 $0xFFFFFFFF  }
0xb5: {  	_ =	strace $0x9000004B  }
0xb6: {  	_ =	sfence  }
0xb7: {  	s30 =	sld [smem:$0x0];
	_ =	sdelay $0x2  }
0xb8: {  	s31 =	sshll.u32 s1, $0xD;
	s1 =	sshrl.u32 s1, $0x2  }
0xb9: {  	s3 =	sand.u32 $0x4000, s31;
	s1 =	sadd.s32 s1, s30  }
0xba: {  	s0 =	sor.u32 s3, s0;
	s1 =	sshll.u32 s1, $0x11  }
0xbb: {  	s0 =	sor.u32 s1, s0  }
0xbc: {  	s0 =	sadd.s32 $0x8F2B, s0  }
0xbd: {  	[sflag:s0] =	ssyncadd.remote.s32 $0x1  }
0xbe: {  	_ =	sfence.sel $0xFFFF  }
0xbf: {  	[dreg:$0x0] =	wrdreg $0xFFFFFFFF;
	(pc) =	sbr.abs _section_cstart, $3  }
0xc0: {  	[dreg:$0x1] =	wrdreg $0xFFFFFFFF  }
0xc1: {  	_ =	task.clear_ibuf [dreg:s6], $0x2FFFF;
	_ =	strace $0x9FFFFFFF  }
0xc2: {  	(tm) =	ssettm $0x7FFFFFFF  }
0xc3: {  	_ =	shalt  }
tec
execute0_lowered:
.L_overlay_start_1:
0x0: {  	(tag) =	ssettag $0x1  }
0x1: {  	s0 =	rddreg [dreg:$0x0]  }
0x2: {  	s2 =	rddreg [dreg:$0x1];
	s1 =	srdreg.scid  }
0x3: {  	s8 =	stileid.u32;
	s3 =	simm.s32 $0x0;
	s25 =	simm.s32 $0x180  }
0x4: {  	s26 =	simm.s32 $0x280;
	s28 =	simm.s32 $0x1;
	s4 =	smul.u32 $0x90, s8  }
0x5: {  	s29 =	simm.s32 $0x5;
	s30 =	simm.s32 $0x2;
	s7 =	smul.u32 $0x14000, s8  }
0x6: {  	s31 =	simm.s32 $0x6;
	s1 =	sand.u32 $0x1, s1;
	s11 =	smul.u32 $0x50000, s8  }
0x7: {  	[smem:$0x7FF] =	sst s3;
	s5 =	sshll.u32 s8, $0x4;
	s6 =	smul.u32 $0x140000, s1  }
0x8: {  	p0 =	seq.s32 s1, $0x0;
	_ =	strace $0x8000004A;
	[dreg:$0x3] =	wrdreg s25  }
0x9: {  	s5 =	sor.u32 $0x900, s5;
	s1 =	ssub.s32 $0x2, s1;
	[dreg:$0x4] =	wrdreg s26  }
0xa: {  	s25 =	simm.s32 $0x4;
	s26 =	simm.s32 $0x4400;
	s5 =	smov.u32 @p0 s4  }
0xb: {  	s4 =	sadd.s32 $0x15600, s0;
	s17 =	sshrl.u32 s11, $0x2;
	s18 =	sshrl.u32 s1, $0x1  }
0xc: {  	s5 =	sshll.u32 s5, $0x5;
	s6 =	sadd.s32 s7, s6;
	s1 =	ssub.s32 s1, s18  }
0xd: {  	s18 =	simm.s32 $0x400;
	s16 =	sshrl.u32 s6, $0x3;
	s6 =	sadd.s32 s17, s2  }
0xe: {  	s12 =	sadd.s32 s5, s0;
	s5 =	simm.s32 $0x24;
	s19 =	sadd.s32 $0x4000, s6  }
0xf: {  	s0 =	sadd.s32 s16, s0;
	s20 =	sadd.s32 $0x8000, s6;
	[dreg:$0x5] =	wrdreg s19  }
0x10: {  	s5 =	simm.s32 @!p0 $0x4;
	s21 =	sadd.s32 $0xC000, s6;
	[dreg:$0x6] =	wrdreg s20  }
0x11: {  	s22 =	sadd.s32 $0x10000, s6;
	s23 =	sadd.s32 $0x1600, s12;
	[dreg:$0x7] =	wrdreg s21  }
0x12: {  	s24 =	sadd.s32 $0x1620, s12;
	s13 =	sadd.s32 $0x1640, s12;
	[dreg:$0x8] =	wrdreg s22  }
0x13: {  	s14 =	sadd.s32 $0x1660, s12;
	s16 =	smax.u32 s1, $0x1;
	[dreg:$0x9] =	wrdreg s23  }
0x14: {  	s8 =	sadd.s32 $0x16E0, s12;
	[dreg:$0xa] =	wrdreg s24;
	s15 =	sadd.s32 $0x3D600, s0  }
0x15: {  	s19 =	simm.s32 $0x7;
	s20 =	simm.s32 $0x100;
	s21 =	simm.s32 $0x200  }
0x16: {  	v0 =	vimm.f32 $0.0e+00;
	s22 =	simm.s32 $0x300;
	s23 =	simm.s32 $0x3;
	s24 =	simm.s32 $0x80  }
.LBB2_1:
0x17: {  	s0 =	simm.s32 $0x0;
	s1 =	simm.s32 $0x200  }
.LBB2_2:
0x18: {  	p0 =	sne.s32 s1, $0xFE00;
	[tilespmem:s0+$0x470] =	vst v0  }
0x19: {  	[tilespmem:s0+$0x400] =	vst v0  }
0x1a: {  	[tilespmem:s0+$0x410] =	vst v0  }
.Ltmp0:
0x1b: {  	[tilespmem:s0+$0x420] =	vst v0;
	(pc) =	sbr.rel @p0 .LBB2_2-.Ltmp0, $4  }
0x1c: {  	[tilespmem:s0+$0x430] =	vst v0  }
0x1d: {  	[tilespmem:s0+$0x440] =	vst v0  }
0x1e: {  	[tilespmem:s0+$0x450] =	vst v0  }
0x1f: {  	[tilespmem:s0+$0x460] =	vst v0;
	s0 =	sshra.s32 s1, $0x2;
	s1 =	sadd.s32 $0x200, s1  }
0x20: {  	[tilespmem:s0+$0x470] =	vst v0  }
0x21: {  	[tilespmem:s0+$0x400] =	vst v0  }
0x22: {  	[tilespmem:s0+$0x410] =	vst v0  }
0x23: {  	[tilespmem:s0+$0x420] =	vst v0  }
0x24: {  	[tilespmem:s0+$0x430] =	vst v0  }
0x25: {  	[tilespmem:s0+$0x440] =	vst v0  }
0x26: {  	[tilespmem:s0+$0x450] =	vst v0  }
0x27: {  	[tilespmem:s0+$0x460] =	vst v0  }
0x28: {  	[spmem:s6] =	stream.linear.scatter [tilespmem:s18], [sflag:$0x7], $0x4000, $0x38;
	[tilespmem:$0x1C400] =	vst v63  }
0x29: {  	_ =	swait.ge [sflag:s19], $0x4000  }
0x2a: {  	[sflag:s19] =	ssyncset.done $0x0  }
0x2b: {  	s17 =	rddreg [dreg:$0x5];
	[sflag:s19] =	ssyncadd.s32 $0xFFFFC000  }
0x2c: {  	[spmem:s17] =	stream.linear.scatter [tilespmem:s18], [sflag:$0x7], $0x4000, $0x38;
	[tilespmem:$0x1C400] =	vst v63  }
0x2d: {  	_ =	swait.ge [sflag:s19], $0x4000  }
0x2e: {  	[sflag:s19] =	ssyncset.done $0x0  }
0x2f: {  	s1 =	rddreg [dreg:$0x6];
	[sflag:s19] =	ssyncadd.s32 $0xFFFFC000  }
0x30: {  	[spmem:s1] =	stream.linear.scatter [tilespmem:s18], [sflag:$0x7], $0x4000, $0x38;
	[tilespmem:$0x1C400] =	vst v63  }
0x31: {  	_ =	swait.ge [sflag:s19], $0x4000  }
0x32: {  	[sflag:s19] =	ssyncset.done $0x0  }
0x33: {  	s7 =	rddreg [dreg:$0x7];
	[sflag:s19] =	ssyncadd.s32 $0xFFFFC000  }
0x34: {  	[spmem:s7] =	stream.linear.scatter [tilespmem:s18], [sflag:$0x7], $0x4000, $0x38;
	[tilespmem:$0x1C400] =	vst v63  }
0x35: {  	_ =	swait.ge [sflag:s19], $0x4000  }
0x36: {  	[sflag:s19] =	ssyncset.done $0x0  }
0x37: {  	s9 =	rddreg [dreg:$0x8];
	[sflag:s19] =	ssyncadd.s32 $0xFFFFC000  }
0x38: {  	[spmem:s9] =	stream.linear.scatter [tilespmem:s18], [sflag:$0x7], $0x4000, $0x38;
	[tilespmem:$0x1C400] =	vst v63  }
0x39: {  	_ =	swait.ge [sflag:s19], $0x4000  }
0x3a: {  	[sflag:s19] =	ssyncset.done $0x0  }
0x3b: {  	[sflag:s19] =	ssyncadd.s32 $0xFFFFC000  }
0x3c: {  	[bflag:$0x0] =	sbarrier.arrive $0xFFFF  }
0x3d: {  	s10 =	simm.s32 $0x0;
	s1 =	rddreg [dreg:$0x9]  }
0x3e: {  	[tilespmem:s10], [sflag:$0x3] =	stream.linear.gather [hbm4b:s1+s10], $0x100, $0x38;
	[tilespmem:$0x1C400] =	vst v63  }
0x3f: {  	s11 =	rddreg [dreg:$0xa]  }
0x40: {  	[tilespmem:s20], [sflag:$0x4] =	stream.linear.gather [hbm4b:s11+s10], $0x100, $0x38;
	[tilespmem:$0x1C400] =	vst v63  }
0x41: {  	_ = 	snop  }
0x42: {  	[tilespmem:s21], [sflag:$0x5] =	stream.linear.gather [hbm4b:s13+s10], $0x100, $0x38;
	[tilespmem:$0x1C400] =	vst v63  }
0x43: {  	_ = 	snop  }
0x44: {  	[tilespmem:s22], [sflag:$0x6] =	stream.linear.gather [hbm4b:s14+s10], $0x100, $0x38;
	[tilespmem:$0x1C400] =	vst v63  }
0x45: {  	_ =	swait.ge [sflag:s23], $0x100  }
0x46: {  	[sflag:s23] =	ssyncset.done $0x0  }
0x47: {  	[sflag:s23] =	ssyncadd.s32 $0xFFFFFF00  }
0x48: {  	[tilespmem:s18], [sflag:$0x1] =	stream.indirect.gather [hbm4b:s4+s24], $0x80, s10, s24, $0xb8;
	[tilespmem:$0x1C400] =	vst v63  }
0x49: {  	_ =	swait.ge [sflag:s25], $0x100  }
0x4a: {  	[sflag:s25] =	ssyncset.done $0x0  }
0x4b: {  	[sflag:s25] =	ssyncadd.s32 $0xFFFFFF00  }
0x4c: {  	[tilespmem:s26], [sflag:$0x2] =	stream.indirect.gather [hbm4b:s4+s24], $0x80, s20, s24, $0xb8;
	[tilespmem:$0x1C400] =	vst v63  }
0x4d: {  	_ =	swait.ge [sflag:s28], $0x4000  }
0x4e: {  	[sflag:s28] =	ssyncset.done $0x0  }
0x4f: {  	[sflag:s28] =	ssyncadd.s32 $0xFFFFC000  }
0x50: {  	[spmem:s2] =	stream.indirect.scatter.add.f32 [tilespmem:s18], [sflag:$0x7], $0x80, s24, s24, $0xb8;
	[tilespmem:$0x1C400] =	vst v63  }
0x51: {  	_ =	swait.ge [sflag:s19], $0x4000  }
0x52: {  	p0 =	sle.u32 s5, $0x1;
	[sflag:s19] =	ssyncset.done $0x0  }
0x53: {  	s0 =	simm.s32 @!p0 $0x0;
	s1 =	sadd.s32 @!p0 $0xFFFFFFA0, s8;
	[sflag:s19] =	ssyncadd.s32 $0xFFFFC000  }
0x54: {  	[tilespmem:s0], [sflag:$0x3] =	stream.linear.gather @!p0 [hbm4b:s1+s0], $0x100, $0x38;
	[tilespmem:$0x1C400] =	vst v63  }
0x55: {  	_ =	swait.ge [sflag:s29], $0x100  }
0x56: {  	[sflag:s29] =	ssyncset.done $0x0  }
0x57: {  	[sflag:s29] =	ssyncadd.s32 $0xFFFFFF00  }
0x58: {  	[tilespmem:s18], [sflag:$0x1] =	stream.indirect.gather [hbm4b:s4+s24], $0x80, s21, s24, $0xb8;
	[tilespmem:$0x1C400] =	vst v63  }
0x59: {  	_ =	swait.ge [sflag:s30], $0x4000  }
0x5a: {  	[sflag:s30] =	ssyncset.done $0x0  }
0x5b: {  	s12 =	rddreg [dreg:$0x3];
	[sflag:s30] =	ssyncadd.s32 $0xFFFFC000  }
0x5c: {  	[spmem:s2] =	stream.indirect.scatter.add.f32 [tilespmem:s26], [sflag:$0x7], $0x80, s12, s24, $0xb8;
	[tilespmem:$0x1C400] =	vst v63  }
0x5d: {  	_ =	swait.ge [sflag:s19], $0x4000  }
0x5e: {  	[sflag:s19] =	ssyncset.done $0x0  }
0x5f: {  	s7 =	simm.s32 @!p0 $0x100;
	s1 =	sadd.s32 @!p0 $0xFFFFFFC0, s8;
	[sflag:s19] =	ssyncadd.s32 $0xFFFFC000  }
0x60: {  	[tilespmem:s7], [sflag:$0x4] =	stream.linear.gather @!p0 [hbm4b:s1+s0], $0x100, $0x38;
	[tilespmem:$0x1C400] =	vst v63  }
0x61: {  	_ =	swait.ge [sflag:s31], $0x100  }
0x62: {  	[sflag:s31] =	ssyncset.done $0x0  }
0x63: {  	[sflag:s31] =	ssyncadd.s32 $0xFFFFFF00  }
0x64: {  	[tilespmem:s26], [sflag:$0x2] =	stream.indirect.gather [hbm4b:s4+s24], $0x80, s22, s24, $0xb8;
	[tilespmem:$0x1C400] =	vst v63  }
0x65: {  	_ =	swait.ge [sflag:s28], $0x4000  }
0x66: {  	[sflag:s28] =	ssyncset.done $0x0  }
0x67: {  	s17 =	rddreg [dreg:$0x4];
	[sflag:s28] =	ssyncadd.s32 $0xFFFFC000  }
0x68: {  	[spmem:s2] =	stream.indirect.scatter.add.f32 [tilespmem:s18], [sflag:$0x7], $0x80, s17, s24, $0xb8;
	[tilespmem:$0x1C400] =	vst v63  }
0x69: {  	_ =	swait.ge [sflag:s19], $0x4000  }
0x6a: {  	[sflag:s19] =	ssyncset.done $0x0  }
0x6b: {  	s1 =	simm.s32 @p0 $0x2;
	[sflag:s19] =	ssyncadd.s32 $0xFFFFC000  }
0x6c: {  	_ =	swait.ge @p0 [sflag:s1], $0x4000  }
0x6d: {  	s9 =	simm.s32 @p0 $0x7;
	s7 =	simm.s32 @p0 $0x4400;
	[sflag:s1] =	ssyncset.done @p0 $0x0  }
0x6e: {  	s17 =	simm.s32 @p0 $0x380;
	[sflag:s1] =	ssyncadd.s32 @p0 $0xFFFFC000;
	s1 =	simm.s32 @p0 $0x80  }
0x6f: {  	[spmem:s2] =	stream.indirect.scatter.add.f32 @p0 [tilespmem:s7], [sflag:$0x7], $0x80, s17, s1, $0xb8;
	[tilespmem:$0x1C400] =	vst v63  }
0x70: {  	_ =	swait.ge @p0 [sflag:s9], $0x4000  }
0x71: {  	s1 =	simm.s32 @!p0 $0x3;
	[sflag:s9] =	ssyncset.done @p0 $0x0  }
0x72: {  	s7 =	sadd.s32 @!p0 $0xFFFFFFE0, s8;
	[sflag:s9] =	ssyncadd.s32 @p0 $0xFFFFC000;
	s9 =	simm.s32 @!p0 $0x200  }
0x73: {  	[tilespmem:s9], [sflag:$0x5] =	stream.linear.gather @!p0 [hbm4b:s7+s0], $0x100, $0x38;
	[tilespmem:$0x1C400] =	vst v63  }
0x74: {  	_ =	swait.ge @!p0 [sflag:s1], $0x100  }
0x75: {  	s7 =	simm.s32 @!p0 $0x2;
	[sflag:s1] =	ssyncset.done @!p0 $0x0  }
0x76: {  	s9 =	simm.s32 @!p0 $0x400;
	[sflag:s1] =	ssyncadd.s32 @!p0 $0xFFFFFF00;
	s1 =	simm.s32 @!p0 $0x80  }
0x77: {  	[tilespmem:s9], [sflag:$0x1] =	stream.indirect.gather @!p0 [hbm4b:s4+s1], $0x80, s0, s1, $0xb8;
	[tilespmem:$0x1C400] =	vst v63  }
0x78: {  	p1 =	sne.s32 s5, $0x1;
	_ =	swait.ge @!p0 [sflag:s7], $0x4000  }
0x79: {  	s17 =	simm.s32 @!p0 $0x7;
	s9 =	simm.s32 @!p0 $0x4400;
	[sflag:s7] =	ssyncset.done @!p0 $0x0  }
.Ltmp1:
0x7a: {  	[sflag:s7] =	ssyncadd.s32 @!p0 $0xFFFFC000;
	s7 =	simm.s32 @!p0 $0x380;
	(pc) =	sbr.rel @!p1 .LBB2_5-.Ltmp1, $4  }
0x7b: {  	[spmem:s2] =	stream.indirect.scatter.add.f32 @!p0 [tilespmem:s9], [sflag:$0x7], $0x80, s7, s1, $0xb8;
	[tilespmem:$0x1C400] =	vst v63  }
0x7c: {  	_ =	swait.ge @!p0 [sflag:s17], $0x4000  }
0x7d: {  	s1 =	simm.s32 $0x1;
	s9 =	simm.s32 @!p0 $0x300;
	[sflag:s17] =	ssyncset.done @!p0 $0x0  }
0x7e: {  	s7 =	sadd.s32 $0x80, s8;
	[sflag:s17] =	ssyncadd.s32 @!p0 $0xFFFFC000;
	s17 =	smov.u32 s8  }
.LBB2_4:
0x7f: {  	[tilespmem:s9], [sflag:$0x6] =	stream.linear.gather @!p0 [hbm4b:s17+s0], $0x100, $0x38;
	[tilespmem:$0x1C400] =	vst v63  }
0x80: {  	_ =	swait.ge [sflag:s25], $0x100  }
0x81: {  	[sflag:s25] =	ssyncset.done $0x0  }
0x82: {  	[sflag:s25] =	ssyncadd.s32 $0xFFFFFF00  }
0x83: {  	[tilespmem:s26], [sflag:$0x2] =	stream.indirect.gather [hbm4b:s4+s24], $0x80, s20, s24, $0xb8;
	[tilespmem:$0x1C400] =	vst v63  }
0x84: {  	_ =	swait.ge [sflag:s28], $0x4000  }
0x85: {  	[sflag:s28] =	ssyncset.done $0x0  }
0x86: {  	[sflag:s28] =	ssyncadd.s32 $0xFFFFC000  }
0x87: {  	[spmem:s2] =	stream.indirect.scatter.add.f32 [tilespmem:s18], [sflag:$0x7], $0x80, s24, s24, $0xb8;
	[tilespmem:$0x1C400] =	vst v63  }
0x88: {  	s1 =	sadd.s32 $0x1, s1;
	_ =	swait.ge [sflag:s19], $0x4000  }
0x89: {  	p0 =	sge.u32 s1, s5;
	[sflag:s19] =	ssyncset.done $0x0  }
0x8a: {  	s9 =	sadd.s32 @!p0 $0xFFFFFFA0, s7;
	s0 =	simm.s32 @!p0 $0x0;
	[sflag:s19] =	ssyncadd.s32 $0xFFFFC000  }
0x8b: {  	[tilespmem:s0], [sflag:$0x3] =	stream.linear.gather @!p0 [hbm4b:s9+s0], $0x100, $0x38;
	[tilespmem:$0x1C400] =	vst v63  }
0x8c: {  	_ =	swait.ge [sflag:s29], $0x100  }
0x8d: {  	[sflag:s29] =	ssyncset.done $0x0  }
0x8e: {  	[sflag:s29] =	ssyncadd.s32 $0xFFFFFF00  }
0x8f: {  	[tilespmem:s18], [sflag:$0x1] =	stream.indirect.gather [hbm4b:s4+s24], $0x80, s21, s24, $0xb8;
	[tilespmem:$0x1C400] =	vst v63  }
0x90: {  	_ =	swait.ge [sflag:s30], $0x4000  }
0x91: {  	[sflag:s30] =	ssyncset.done $0x0  }
0x92: {  	s11 =	rddreg [dreg:$0x3];
	[sflag:s30] =	ssyncadd.s32 $0xFFFFC000  }
0x93: {  	[spmem:s2] =	stream.indirect.scatter.add.f32 [tilespmem:s26], [sflag:$0x7], $0x80, s11, s24, $0xb8;
	[tilespmem:$0x1C400] =	vst v63  }
0x94: {  	_ =	swait.ge [sflag:s19], $0x4000  }
0x95: {  	[sflag:s19] =	ssyncset.done $0x0  }
0x96: {  	s10 =	simm.s32 @!p0 $0x100;
	s9 =	sadd.s32 @!p0 $0xFFFFFFC0, s7;
	[sflag:s19] =	ssyncadd.s32 $0xFFFFC000  }
0x97: {  	[tilespmem:s10], [sflag:$0x4] =	stream.linear.gather @!p0 [hbm4b:s9+s0], $0x100, $0x38;
	[tilespmem:$0x1C400] =	vst v63  }
0x98: {  	_ =	swait.ge [sflag:s31], $0x100  }
0x99: {  	[sflag:s31] =	ssyncset.done $0x0  }
0x9a: {  	[sflag:s31] =	ssyncadd.s32 $0xFFFFFF00  }
0x9b: {  	[tilespmem:s26], [sflag:$0x2] =	stream.indirect.gather [hbm4b:s4+s24], $0x80, s22, s24, $0xb8;
	[tilespmem:$0x1C400] =	vst v63  }
0x9c: {  	_ =	swait.ge [sflag:s28], $0x4000  }
0x9d: {  	[sflag:s28] =	ssyncset.done $0x0  }
0x9e: {  	s12 =	rddreg [dreg:$0x4];
	[sflag:s28] =	ssyncadd.s32 $0xFFFFC000  }
0x9f: {  	[spmem:s2] =	stream.indirect.scatter.add.f32 [tilespmem:s18], [sflag:$0x7], $0x80, s12, s24, $0xb8;
	[tilespmem:$0x1C400] =	vst v63  }
0xa0: {  	_ =	swait.ge [sflag:s19], $0x4000  }
0xa1: {  	[sflag:s19] =	ssyncset.done $0x0  }
0xa2: {  	s9 =	simm.s32 @p0 $0x2;
	[sflag:s19] =	ssyncadd.s32 $0xFFFFC000  }
0xa3: {  	_ =	swait.ge @p0 [sflag:s9], $0x4000  }
0xa4: {  	s11 =	simm.s32 @p0 $0x7;
	s10 =	simm.s32 @p0 $0x4400;
	[sflag:s9] =	ssyncset.done @p0 $0x0  }
0xa5: {  	s12 =	simm.s32 @p0 $0x380;
	[sflag:s9] =	ssyncadd.s32 @p0 $0xFFFFC000;
	s9 =	simm.s32 @p0 $0x80  }
0xa6: {  	[spmem:s2] =	stream.indirect.scatter.add.f32 @p0 [tilespmem:s10], [sflag:$0x7], $0x80, s12, s9, $0xb8;
	[tilespmem:$0x1C400] =	vst v63  }
0xa7: {  	_ =	swait.ge @p0 [sflag:s11], $0x4000  }
0xa8: {  	s9 =	simm.s32 @!p0 $0x3;
	[sflag:s11] =	ssyncset.done @p0 $0x0  }
0xa9: {  	s10 =	sadd.s32 @!p0 $0xFFFFFFE0, s7;
	[sflag:s11] =	ssyncadd.s32 @p0 $0xFFFFC000;
	s11 =	simm.s32 @!p0 $0x200  }
0xaa: {  	[tilespmem:s11], [sflag:$0x5] =	stream.linear.gather @!p0 [hbm4b:s10+s0], $0x100, $0x38;
	[tilespmem:$0x1C400] =	vst v63  }
0xab: {  	_ =	swait.ge @!p0 [sflag:s9], $0x100  }
0xac: {  	s10 =	simm.s32 @!p0 $0x2;
	[sflag:s9] =	ssyncset.done @!p0 $0x0  }
0xad: {  	s11 =	simm.s32 @!p0 $0x400;
	[sflag:s9] =	ssyncadd.s32 @!p0 $0xFFFFFF00;
	s9 =	simm.s32 @!p0 $0x80  }
0xae: {  	[tilespmem:s11], [sflag:$0x1] =	stream.indirect.gather @!p0 [hbm4b:s4+s9], $0x80, s0, s9, $0xb8;
	[tilespmem:$0x1C400] =	vst v63  }
0xaf: {  	p1 =	sne.s32 s5, s1;
	_ =	swait.ge @!p0 [sflag:s10], $0x4000  }
0xb0: {  	s12 =	simm.s32 @!p0 $0x7;
	s11 =	simm.s32 @!p0 $0x4400;
	[sflag:s10] =	ssyncset.done @!p0 $0x0  }
.Ltmp2:
0xb1: {  	[sflag:s10] =	ssyncadd.s32 @!p0 $0xFFFFC000;
	s10 =	simm.s32 @!p0 $0x380;
	(pc) =	sbr.rel @p1 .LBB2_4-.Ltmp2, $4  }
0xb2: {  	[spmem:s2] =	stream.indirect.scatter.add.f32 @!p0 [tilespmem:s11], [sflag:$0x7], $0x80, s10, s9, $0xb8;
	[tilespmem:$0x1C400] =	vst v63  }
0xb3: {  	_ =	swait.ge @!p0 [sflag:s12], $0x4000  }
0xb4: {  	s17 =	smov.u32 s7;
	[sflag:s12] =	ssyncset.done @!p0 $0x0  }
0xb5: {  	s7 =	sadd.s32 $0x80, s7;
	s9 =	simm.s32 @!p0 $0x300;
	[sflag:s12] =	ssyncadd.s32 @!p0 $0xFFFFC000  }
.LBB2_5:
0xb6: {  	[tilespmem:s9], [sflag:$0x6] =	stream.linear.gather @!p0 [hbm4b:s17+s0], $0x100, $0x38;
	[tilespmem:$0x1C400] =	vst v63  }
0xb7: {  	s17 =	stileid.u32;
	s3 =	sadd.s32 $0x1, s3  }
0xb8: {  	s1 =	sshrl.u32 s6, $0x3;
	s0 =	sshll.u32 s17, $0x6;
	p0 =	sne.s32 s3, s16  }
.Ltmp3:
0xb9: {  	[bflag:$0x0] =	sbarrier.arrive $0xFFFF;
	s0 =	sor.u32 $0x1C07, s0;
	(pc) =	sbr.rel @p0 .LBB2_1-.Ltmp3, $4  }
0xba: {  	[hbm:s15], [sflag:s0] =	dma.local [spmem:s1], $0x2800  }
0xbb: {  	_ =	swait.ge [sflag:s19], $0x2800  }
0xbc: {  	[sflag:s19] =	ssyncset.done $0x0  }
0xbd: {  	[sflag:s19] =	ssyncadd.s32 $0xFFFFD800  }
0xbe: {  	_ =	sfence.sel $0x180000  }
0xbf: {  	[bflag:$0x0] =	sbarrier.arrive $0xFFFF  }
0xc0: {  	_ =	strace $0x9000004A  }
0xc1: {  	s0 =	stileid.u32;
	[bflag:$0x2] =	sbarrier.arrive $0xFFFF  }
0xc2: {  	p0 =	sne.s32 s0, $0x0;
	s0 =	rddreg [dreg:$0x2]  }
0xc3: {  	s0 =	sadd.s32 @!p0 $0x100000, s0  }
0xc4: {  	[sflag:s0] =	ssyncadd.tile.s32 @!p0 $0x1;
	_ =	shalt  }
.Lfunc_end2:
_tile_overlayer_lowered:
.L_overlay_start_2:
0xc5: {  	(tag) =	ssettag $0x2  }
0xc6: {  	s0 =	rddreg [dreg:$0x0];
	s2 =	stileid.u32  }
0xc7: {  	s1 =	rddreg [dreg:$0x1];
	p0 =	sne.s32 s2, $0x0  }
0xc8: {  	s3 =	rddreg [dreg:$0x2];
	[bflag:$0x3] =	sbarrier.arrive $0xFFFF;
	s2 =	simm.s32 @!p0 $0x1C07  }
0xc9: {  	[timem:s3], [sflag:s2] =	dma.local @!p0 [hbm:s0], s1  }
0xca: {  	s0 =	simm.s32 @!p0 $0x7  }
0xcb: {  	_ =	swait.ge @!p0 [sflag:s0], s1  }
0xcc: {  	s1 =	ssub.s32 @!p0 $0x0, s1;
	[sflag:s0] =	ssyncset.done @!p0 $0x0  }
0xcd: {  	[sflag:s0] =	ssyncadd.s32 @!p0 s1  }
0xce: {  	[bflag:$0x3] =	sbarrier.arrive $0xFFFF  }
0xcf: {  	_ =	shalt  }

</sc_bundles>
